<compile_context>
chip_gen: v7x
topology: tpu7x:2x2x1
jax: 0.10.2.dev20260603
libtpu: 0.0.44.dev20260713+nightly
codegen_flags: <defaults>
</compile_context>

<pallas_src>
import functools

import jax
import jax.numpy as jnp
from jax import lax
from jax.experimental import pallas as pl
from jax.experimental.pallas import tpu as pltpu
from jax.experimental.pallas import tpu_sc as plsc

_NBUF = 2
_BLK = 512


def _make_gather(V: int, D: int, BT: int, S: int):
    info = plsc.get_sparse_core_info()
    nc, ns = info.num_cores, info.num_subcores
    nw = nc * ns
    blocks_per_s = BT // _BLK
    units = S * blocks_per_s
    units_per_w = units // nw
    assert units_per_w % _NBUF == 0
    n_outer = units_per_w // _NBUF

    mesh = plsc.VectorSubcoreMesh(core_axis_name="c", subcore_axis_name="s")

    @functools.partial(
        pl.kernel,
        mesh=mesh,
        out_type=jax.ShapeDtypeStruct((S, BT, D), jnp.float32),
        compiler_params=pltpu.CompilerParams(use_tc_tiling_on_sc=False),
        scratch_types=[
            pltpu.VMEM((_NBUF, _BLK), jnp.int32),
            pltpu.VMEM((_NBUF, _BLK, D), jnp.float32),
            pltpu.SemaphoreType.DMA,
            pltpu.SemaphoreType.DMA,
            pltpu.SemaphoreType.DMA,
            pltpu.SemaphoreType.DMA,
        ],
    )
    def k(table_hbm, xt_hbm, out_hbm, idx_v, rows_v, gsem0, gsem1,
          wsem0, wsem1):
        wid = lax.axis_index("s") * nc + lax.axis_index("c")
        u0 = wid * units_per_w
        gsems = (gsem0, gsem1)
        wsems = (wsem0, wsem1)

        def body(t, carry):
            handles = []
            units_now = []
            for u in range(_NBUF):
                unit = u0 + t * _NBUF + u
                s = unit // blocks_per_s
                b0 = (unit % blocks_per_s) * _BLK
                units_now.append((s, b0))

                @pl.when(t > 0)
                def _drain_prev_write(u=u, unit=unit):
                    ps = (unit - _NBUF) // blocks_per_s
                    pb0 = ((unit - _NBUF) % blocks_per_s) * _BLK
                    pltpu.make_async_copy(
                        rows_v.at[u],
                        out_hbm.at[ps, pl.ds(pb0, _BLK)],
                        wsems[u]).wait()

                pltpu.sync_copy(xt_hbm.at[s, pl.ds(b0, _BLK)], idx_v.at[u])
                handles.append(pltpu.async_copy(
                    table_hbm.at[idx_v.at[u]], rows_v.at[u], gsems[u]))
            for u in range(_NBUF):
                s, b0 = units_now[u]
                handles[u].wait()
                pltpu.async_copy(
                    rows_v.at[u], out_hbm.at[s, pl.ds(b0, _BLK)], wsems[u])
            return carry

        lax.fori_loop(0, n_outer, body, 0)
        for u in range(_NBUF):
            unit = u0 + (n_outer - 1) * _NBUF + u
            s = unit // blocks_per_s
            b0 = (unit % blocks_per_s) * _BLK
            pltpu.make_async_copy(
                rows_v.at[u], out_hbm.at[s, pl.ds(b0, _BLK)],
                wsems[u]).wait()

    return k


def kernel(x, table):
    bt, s = x.shape
    v, d = table.shape
    out_t = _make_gather(v, d, bt, s)(table, x.T)
    return out_t.transpose(1, 0, 2)

# --- scband reference (transcript-rebuilt; emitter-appended) ---
"""Pipeline reference for scband-token-embedding-3143916061020 (READ-ONLY COPY).

The authoritative reference and input builder live on the scoring server;
editing this copy changes nothing except your own understanding.
"""

import jax, jax.numpy as jnp
import numpy as np

VOCAB_SIZE = 1000000
D_MODEL = 64
PAD_IDX = 0
BATCH = 4096
SEQ_LEN = 200


def setup_inputs(seed: int = 0) -> dict:
    key = jax.random.key(seed)
    k_idx, k_tab = jax.random.split(key)
    x = jax.random.randint(k_idx, (BATCH, SEQ_LEN), 0, VOCAB_SIZE, dtype=jnp.int64 if jax.config.jax_enable_x64 else jnp.int32).astype(jnp.int32)
    table = jax.random.normal(k_tab, (VOCAB_SIZE, D_MODEL), dtype=jnp.float32)
    # torch nn.Embedding with padding_idx initializes the padding row to zeros
    table = table.at[PAD_IDX].set(0.0)
    return {"x": x, "table": table}


def reference(x, table):
    # TokenEmbedding.forward: simple lookup table gather
    return jnp.take(table, x, axis=0)

if __name__ == "__main__":
    import jax
    _d = setup_inputs()
    print(jax.jit(kernel)(*tuple(_d.values())))

</pallas_src>

<mosaic_0001>
#map = affine_map<(d0, d1) -> (0, 0)>
#map1 = affine_map<(d0, d1) -> (0, 0, 0)>
module attributes {stable_mosaic.version = 14 : i64} {
  func.func @k(%arg0: i32, %arg1: i32, %arg2: memref<1000000x64xf32, #tpu.memory_space<hbm>>, %arg3: memref<200x4096xi32, #tpu.memory_space<hbm>>, %arg4: memref<200x4096x64xf32, #tpu.memory_space<hbm>>, %arg5: memref<2x512xi32, #tpu.memory_space<vmem>>, %arg6: memref<2x512x64xf32, #tpu.memory_space<vmem>>, %arg7: memref<!tpu.dma_semaphore, #tpu.memory_space<semaphore_mem>>, %arg8: memref<!tpu.dma_semaphore, #tpu.memory_space<semaphore_mem>>, %arg9: memref<!tpu.dma_semaphore, #tpu.memory_space<semaphore_mem>>, %arg10: memref<!tpu.dma_semaphore, #tpu.memory_space<semaphore_mem>>) attributes {dimension_semantics = [#tpu.dimension_semantics<core_parallel>, #tpu.dimension_semantics<subcore_parallel>], iteration_bounds = array<i64: 2, 16>, scalar_prefetch = 0 : i64, scratch_operands = 6 : i64, tpu.core_type = #tpu.core_type<sc_vector_subcore>, window_params = [{transform_indices = #map}, {transform_indices = #map}, {transform_indices = #map1}]} {
    %mul3A = arith.constant 2 : i32
    %mul3A_0 = arith.muli %arg1, %mul3A : i32
    %add3A = arith.addi %mul3A_0, %arg0 : i32
    %mul3A_1 = arith.constant 50 : i32
    %mul3A_2 = arith.muli %add3A, %mul3A_1 : i32
    %scan3A = arith.constant 0 : i32
    %scan3A_3 = arith.constant 0 : i32
    %scan3A_4 = arith.constant 25 : i32
    %scan3A_5 = arith.addi %scan3A_3, %scan3A_4 : i32
    %scan3A_6 = arith.constant 1 : i32
    scf.for %scan3A_119 = %scan3A_3 to %scan3A_5 step %scan3A_6  : i32 {
      %mul3A_120 = arith.constant 2 : i32
      %mul3A_121 = arith.muli %scan3A_119, %mul3A_120 : i32
      %add3A_122 = arith.addi %mul3A_2, %mul3A_121 : i32
      %add3A_123 = arith.constant 0 : i32
      %add3A_124 = arith.addi %add3A_122, %add3A_123 : i32
      %jit3A_125 = arith.constant 8 : i32
      %div3A_126 = arith.divsi %add3A_124, %jit3A_125 : i32
      %sign3A_127 = arith.constant 0 : i32
      %sign3A_128 = arith.cmpi sgt, %add3A_124, %sign3A_127 : i32
      %sign3A_129 = arith.extui %sign3A_128 : i1 to i32
      %sign3A_130 = arith.constant 0 : i32
      %sign3A_131 = arith.cmpi slt, %add3A_124, %sign3A_130 : i32
      %sign3A_132 = arith.extui %sign3A_131 : i1 to i32
      %sign3A_133 = arith.subi %sign3A_129, %sign3A_132 : i32
      %sign3A_134 = arith.constant 0 : i32
      %sign3A_135 = arith.cmpi sgt, %jit3A_125, %sign3A_134 : i32
      %sign3A_136 = arith.extui %sign3A_135 : i1 to i32
      %sign3A_137 = arith.constant 0 : i32
      %sign3A_138 = arith.cmpi slt, %jit3A_125, %sign3A_137 : i32
      %sign3A_139 = arith.extui %sign3A_138 : i1 to i32
      %sign3A_140 = arith.subi %sign3A_136, %sign3A_139 : i32
      %ne3A_141 = arith.cmpi ne, %sign3A_133, %sign3A_140 : i32
      %rem3A_142 = arith.remsi %add3A_124, %jit3A_125 : i32
      %ne3A_143 = arith.constant 0 : i32
      %ne3A_144 = arith.cmpi ne, %rem3A_142, %ne3A_143 : i32
      %and3A_145 = arith.andi %ne3A_141, %ne3A_144 : i1
      %sub3A_146 = arith.constant 1 : i32
      %sub3A_147 = arith.subi %div3A_126, %sub3A_146 : i32
      %select_n3A_148 = arith.select %and3A_145, %sub3A_147, %div3A_126 : i32
      %jit3A_149 = arith.constant 8 : i32
      %eq3A_150 = arith.constant 0 : i32
      %eq3A_151 = arith.cmpi eq, %jit3A_149, %eq3A_150 : i32
      %jit3A_152 = arith.constant 1 : i32
      %select_n3A_153 = arith.select %eq3A_151, %jit3A_152, %jit3A_149 : i32
      %rem3A_154 = arith.remsi %add3A_124, %select_n3A_153 : i32
      %ne3A_155 = arith.constant 0 : i32
      %ne3A_156 = arith.cmpi ne, %rem3A_154, %ne3A_155 : i32
      %lt3A_157 = arith.constant 0 : i32
      %lt3A_158 = arith.cmpi slt, %rem3A_154, %lt3A_157 : i32
      %lt3A_159 = arith.constant 0 : i32
      %lt3A_160 = arith.cmpi slt, %select_n3A_153, %lt3A_159 : i32
      %ne3A_161 = arith.xori %lt3A_158, %lt3A_160 : i1
      %and3A_162 = arith.andi %ne3A_161, %ne3A_156 : i1
      %add3A_163 = arith.addi %rem3A_154, %select_n3A_153 : i32
      %select_n3A_164 = arith.select %and3A_162, %add3A_163, %rem3A_154 : i32
      %mul3A_165 = arith.constant 512 : i32
      %mul3A_166 = arith.muli %select_n3A_164, %mul3A_165 : i32
      %gt3A = arith.constant 0 : i32
      %gt3A_167 = arith.cmpi sgt, %scan3A_119, %gt3A : i32
      %convert_element_type3A = arith.extui %gt3A_167 : i1 to i32
      %cond3A = arith.constant 0 : i32
      %cond3A_168 = arith.cmpi ne, %convert_element_type3A, %cond3A : i32
      scf.if %cond3A_168 {
        %sub3A_299 = arith.constant 2 : i32
        %sub3A_300 = arith.subi %add3A_124, %sub3A_299 : i32
        %jit3A_301 = arith.constant 8 : i32
        %div3A_302 = arith.divsi %sub3A_300, %jit3A_301 : i32
        %sign3A_303 = arith.constant 0 : i32
        %sign3A_304 = arith.cmpi sgt, %sub3A_300, %sign3A_303 : i32
        %sign3A_305 = arith.extui %sign3A_304 : i1 to i32
        %sign3A_306 = arith.constant 0 : i32
        %sign3A_307 = arith.cmpi slt, %sub3A_300, %sign3A_306 : i32
        %sign3A_308 = arith.extui %sign3A_307 : i1 to i32
        %sign3A_309 = arith.subi %sign3A_305, %sign3A_308 : i32
        %sign3A_310 = arith.constant 0 : i32
        %sign3A_311 = arith.cmpi sgt, %jit3A_301, %sign3A_310 : i32
        %sign3A_312 = arith.extui %sign3A_311 : i1 to i32
        %sign3A_313 = arith.constant 0 : i32
        %sign3A_314 = arith.cmpi slt, %jit3A_301, %sign3A_313 : i32
        %sign3A_315 = arith.extui %sign3A_314 : i1 to i32
        %sign3A_316 = arith.subi %sign3A_312, %sign3A_315 : i32
        %ne3A_317 = arith.cmpi ne, %sign3A_309, %sign3A_316 : i32
        %rem3A_318 = arith.remsi %sub3A_300, %jit3A_301 : i32
        %ne3A_319 = arith.constant 0 : i32
        %ne3A_320 = arith.cmpi ne, %rem3A_318, %ne3A_319 : i32
        %and3A_321 = arith.andi %ne3A_317, %ne3A_320 : i1
        %sub3A_322 = arith.constant 1 : i32
        %sub3A_323 = arith.subi %div3A_302, %sub3A_322 : i32
        %select_n3A_324 = arith.select %and3A_321, %sub3A_323, %div3A_302 : i32
        %sub3A_325 = arith.constant 2 : i32
        %sub3A_326 = arith.subi %add3A_124, %sub3A_325 : i32
        %jit3A_327 = arith.constant 8 : i32
        %eq3A_328 = arith.constant 0 : i32
        %eq3A_329 = arith.cmpi eq, %jit3A_327, %eq3A_328 : i32
        %jit3A_330 = arith.constant 1 : i32
        %select_n3A_331 = arith.select %eq3A_329, %jit3A_330, %jit3A_327 : i32
        %rem3A_332 = arith.remsi %sub3A_326, %select_n3A_331 : i32
        %ne3A_333 = arith.constant 0 : i32
        %ne3A_334 = arith.cmpi ne, %rem3A_332, %ne3A_333 : i32
        %lt3A_335 = arith.constant 0 : i32
        %lt3A_336 = arith.cmpi slt, %rem3A_332, %lt3A_335 : i32
        %lt3A_337 = arith.constant 0 : i32
        %lt3A_338 = arith.cmpi slt, %select_n3A_331, %lt3A_337 : i32
        %ne3A_339 = arith.xori %lt3A_336, %lt3A_338 : i1
        %and3A_340 = arith.andi %ne3A_339, %ne3A_334 : i1
        %add3A_341 = arith.addi %rem3A_332, %select_n3A_331 : i32
        %select_n3A_342 = arith.select %and3A_340, %add3A_341, %rem3A_332 : i32
        %mul3A_343 = arith.constant 512 : i32
        %mul3A_344 = arith.muli %select_n3A_342, %mul3A_343 : i32
        %dma_wait3A_345 = arith.constant 0 : i32
        %dma_wait3A_346 = arith.constant 0 : i32
        %dma_wait3A_347 = arith.constant 0 : i32
        %dma_wait3A_348 = tpu.memref_slice %arg6[%dma_wait3A_345, %dma_wait3A_346, %dma_wait3A_347] : memref<2x512x64xf32, #tpu.memory_space<vmem>> -> memref<1x512x64xf32, #tpu.memory_space<vmem>>
        %dma_wait3A_349 = tpu.memref_squeeze %dma_wait3A_348 : memref<1x512x64xf32, #tpu.memory_space<vmem>> -> memref<512x64xf32, #tpu.memory_space<vmem>>
        %dma_wait3A_350 = arith.constant 0 : i32
        %dma_wait3A_351 = tpu.memref_slice %arg4[%select_n3A_324, %mul3A_344, %dma_wait3A_350] : memref<200x4096x64xf32, #tpu.memory_space<hbm>> -> memref<1x512x64xf32, #tpu.memory_space<hbm>>
        %dma_wait3A_352 = tpu.memref_squeeze %dma_wait3A_351 : memref<1x512x64xf32, #tpu.memory_space<hbm>> -> memref<512x64xf32, #tpu.memory_space<hbm>>
        %dma_wait3A_353 = arith.constant 0 : i32
        %dma_wait3A_354 = tpu.memref_slice %arg4[%select_n3A_324, %mul3A_344, %dma_wait3A_353] : memref<200x4096x64xf32, #tpu.memory_space<hbm>> -> memref<1x512x64xf32, #tpu.memory_space<hbm>>
        %dma_wait3A_355 = tpu.memref_squeeze %dma_wait3A_354 : memref<1x512x64xf32, #tpu.memory_space<hbm>> -> memref<512x64xf32, #tpu.memory_space<hbm>>
        %dma_wait3A_356 = arith.constant 0 : i32
        %dma_wait3A_357 = arith.constant 0 : i32
        %dma_wait3A_358 = tpu.memref_slice %arg6[%dma_wait3A_345, %dma_wait3A_356, %dma_wait3A_357] : memref<2x512x64xf32, #tpu.memory_space<vmem>> -> memref<1x512x64xf32, #tpu.memory_space<vmem>>
        %dma_wait3A_359 = tpu.memref_squeeze %dma_wait3A_358 : memref<1x512x64xf32, #tpu.memory_space<vmem>> -> memref<512x64xf32, #tpu.memory_space<vmem>>
        tpu.wait_dma2 semaphore(%arg9 : memref<!tpu.dma_semaphore, #tpu.memory_space<semaphore_mem>>) src(%dma_wait3A_359 : memref<512x64xf32, #tpu.memory_space<vmem>>) dst(%dma_wait3A_355 : memref<512x64xf32, #tpu.memory_space<hbm>>)
      } else {
      }
      %run_scoped3A = arith.constant 0 : i32
      "tpu.region"() ({
        %run_scoped3A_299 = tpu.sem_alloc : memref<!tpu.dma_semaphore, #tpu.memory_space<semaphore_mem>>
        %dma_start3A_300 = arith.constant 0 : i32
        %dma_start3A_301 = tpu.memref_slice %arg5[%run_scoped3A, %dma_start3A_300] : memref<2x512xi32, #tpu.memory_space<vmem>> -> memref<1x512xi32, #tpu.memory_space<vmem>>
        %dma_start3A_302 = tpu.memref_squeeze %dma_start3A_301 : memref<1x512xi32, #tpu.memory_space<vmem>> -> memref<512xi32, #tpu.memory_space<vmem>>
        %dma_start3A_303 = tpu.memref_slice %arg3[%select_n3A_148, %mul3A_166] : memref<200x4096xi32, #tpu.memory_space<hbm>> -> memref<1x512xi32, #tpu.memory_space<hbm>>
        %dma_start3A_304 = tpu.memref_squeeze %dma_start3A_303 : memref<1x512xi32, #tpu.memory_space<hbm>> -> memref<512xi32, #tpu.memory_space<hbm>>
        %dma_start3A_305 = arith.constant 0 : i32
        %dma_start3A_306 = tpu.memref_slice %arg5[%run_scoped3A, %dma_start3A_305] : memref<2x512xi32, #tpu.memory_space<vmem>> -> memref<1x512xi32, #tpu.memory_space<vmem>>
        %dma_start3A_307 = tpu.memref_squeeze %dma_start3A_306 : memref<1x512xi32, #tpu.memory_space<vmem>> -> memref<512xi32, #tpu.memory_space<vmem>>
        %dma_start3A_308 = tpu.memref_slice %arg3[%select_n3A_148, %mul3A_166] : memref<200x4096xi32, #tpu.memory_space<hbm>> -> memref<1x512xi32, #tpu.memory_space<hbm>>
        %dma_start3A_309 = tpu.memref_squeeze %dma_start3A_308 : memref<1x512xi32, #tpu.memory_space<hbm>> -> memref<512xi32, #tpu.memory_space<hbm>>
        tpu.enqueue_dma source(%dma_start3A_309 : memref<512xi32, #tpu.memory_space<hbm>>) target(%dma_start3A_307 : memref<512xi32, #tpu.memory_space<vmem>>) target_semaphore(%run_scoped3A_299 : memref<!tpu.dma_semaphore, #tpu.memory_space<semaphore_mem>>)
        %dma_wait3A_310 = arith.constant 0 : i32
        %dma_wait3A_311 = tpu.memref_slice %arg5[%run_scoped3A, %dma_wait3A_310] : memref<2x512xi32, #tpu.memory_space<vmem>> -> memref<1x512xi32, #tpu.memory_space<vmem>>
        %dma_wait3A_312 = tpu.memref_squeeze %dma_wait3A_311 : memref<1x512xi32, #tpu.memory_space<vmem>> -> memref<512xi32, #tpu.memory_space<vmem>>
        %dma_wait3A_313 = tpu.memref_slice %arg3[%select_n3A_148, %mul3A_166] : memref<200x4096xi32, #tpu.memory_space<hbm>> -> memref<1x512xi32, #tpu.memory_space<hbm>>
        %dma_wait3A_314 = tpu.memref_squeeze %dma_wait3A_313 : memref<1x512xi32, #tpu.memory_space<hbm>> -> memref<512xi32, #tpu.memory_space<hbm>>
        %dma_wait3A_315 = arith.constant 0 : i32
        %dma_wait3A_316 = tpu.memref_slice %arg5[%run_scoped3A, %dma_wait3A_315] : memref<2x512xi32, #tpu.memory_space<vmem>> -> memref<1x512xi32, #tpu.memory_space<vmem>>
        %dma_wait3A_317 = tpu.memref_squeeze %dma_wait3A_316 : memref<1x512xi32, #tpu.memory_space<vmem>> -> memref<512xi32, #tpu.memory_space<vmem>>
        %dma_wait3A_318 = tpu.memref_slice %arg3[%select_n3A_148, %mul3A_166] : memref<200x4096xi32, #tpu.memory_space<hbm>> -> memref<1x512xi32, #tpu.memory_space<hbm>>
        %dma_wait3A_319 = tpu.memref_squeeze %dma_wait3A_318 : memref<1x512xi32, #tpu.memory_space<hbm>> -> memref<512xi32, #tpu.memory_space<hbm>>
        tpu.wait_dma2 semaphore(%run_scoped3A_299 : memref<!tpu.dma_semaphore, #tpu.memory_space<semaphore_mem>>) src(%dma_wait3A_319 : memref<512xi32, #tpu.memory_space<hbm>>) dst(%dma_wait3A_317 : memref<512xi32, #tpu.memory_space<vmem>>)
        tpu.yield
      }) : () -> ()
      %dma_start3A = arith.constant 0 : i32
      %dma_start3A_169 = arith.constant 0 : i32
      %dma_start3A_170 = arith.constant 0 : i32
      %dma_start3A_171 = arith.constant 0 : i32
      %dma_start3A_172 = tpu.memref_slice %arg6[%dma_start3A_169, %dma_start3A_170, %dma_start3A_171] : memref<2x512x64xf32, #tpu.memory_space<vmem>> -> memref<1x512x64xf32, #tpu.memory_space<vmem>>
      %dma_start3A_173 = tpu.memref_squeeze %dma_start3A_172 : memref<1x512x64xf32, #tpu.memory_space<vmem>> -> memref<512x64xf32, #tpu.memory_space<vmem>>
      %dma_start3A_174 = arith.constant 0 : i32
      %dma_start3A_175 = tpu.memref_slice %arg5[%dma_start3A, %dma_start3A_174] : memref<2x512xi32, #tpu.memory_space<vmem>> -> memref<1x512xi32, #tpu.memory_space<vmem>>
      %dma_start3A_176 = tpu.memref_squeeze %dma_start3A_175 : memref<1x512xi32, #tpu.memory_space<vmem>> -> memref<512xi32, #tpu.memory_space<vmem>>
      %dma_start3A_177 = arith.constant 0 : i32
      %dma_start3A_178 = arith.constant 0 : i32
      %dma_start3A_179 = tpu.memref_slice %arg2[%dma_start3A_177, %dma_start3A_178] : memref<1000000x64xf32, #tpu.memory_space<hbm>> -> memref<1000000x64xf32, #tpu.memory_space<hbm>>
      tpu.enqueue_indirect_dma source(%dma_start3A_179 : memref<1000000x64xf32, #tpu.memory_space<hbm>>) target(%dma_start3A_173 : memref<512x64xf32, #tpu.memory_space<vmem>>) offsets(%dma_start3A_176 : memref<512xi32, #tpu.memory_space<vmem>>) semaphore(%arg7 : memref<!tpu.dma_semaphore, #tpu.memory_space<semaphore_mem>>)
      %mul3A_180 = arith.constant 2 : i32
      %mul3A_181 = arith.muli %scan3A_119, %mul3A_180 : i32
      %add3A_182 = arith.addi %mul3A_2, %mul3A_181 : i32
      %add3A_183 = arith.constant 1 : i32
      %add3A_184 = arith.addi %add3A_182, %add3A_183 : i32
      %jit3A_185 = arith.constant 8 : i32
      %div3A_186 = arith.divsi %add3A_184, %jit3A_185 : i32
      %sign3A_187 = arith.constant 0 : i32
      %sign3A_188 = arith.cmpi sgt, %add3A_184, %sign3A_187 : i32
      %sign3A_189 = arith.extui %sign3A_188 : i1 to i32
      %sign3A_190 = arith.constant 0 : i32
      %sign3A_191 = arith.cmpi slt, %add3A_184, %sign3A_190 : i32
      %sign3A_192 = arith.extui %sign3A_191 : i1 to i32
      %sign3A_193 = arith.subi %sign3A_189, %sign3A_192 : i32
      %sign3A_194 = arith.constant 0 : i32
      %sign3A_195 = arith.cmpi sgt, %jit3A_185, %sign3A_194 : i32
      %sign3A_196 = arith.extui %sign3A_195 : i1 to i32
      %sign3A_197 = arith.constant 0 : i32
      %sign3A_198 = arith.cmpi slt, %jit3A_185, %sign3A_197 : i32
      %sign3A_199 = arith.extui %sign3A_198 : i1 to i32
      %sign3A_200 = arith.subi %sign3A_196, %sign3A_199 : i32
      %ne3A_201 = arith.cmpi ne, %sign3A_193, %sign3A_200 : i32
      %rem3A_202 = arith.remsi %add3A_184, %jit3A_185 : i32
      %ne3A_203 = arith.constant 0 : i32
      %ne3A_204 = arith.cmpi ne, %rem3A_202, %ne3A_203 : i32
      %and3A_205 = arith.andi %ne3A_201, %ne3A_204 : i1
      %sub3A_206 = arith.constant 1 : i32
      %sub3A_207 = arith.subi %div3A_186, %sub3A_206 : i32
      %select_n3A_208 = arith.select %and3A_205, %sub3A_207, %div3A_186 : i32
      %jit3A_209 = arith.constant 8 : i32
      %eq3A_210 = arith.constant 0 : i32
      %eq3A_211 = arith.cmpi eq, %jit3A_209, %eq3A_210 : i32
      %jit3A_212 = arith.constant 1 : i32
      %select_n3A_213 = arith.select %eq3A_211, %jit3A_212, %jit3A_209 : i32
      %rem3A_214 = arith.remsi %add3A_184, %select_n3A_213 : i32
      %ne3A_215 = arith.constant 0 : i32
      %ne3A_216 = arith.cmpi ne, %rem3A_214, %ne3A_215 : i32
      %lt3A_217 = arith.constant 0 : i32
      %lt3A_218 = arith.cmpi slt, %rem3A_214, %lt3A_217 : i32
      %lt3A_219 = arith.constant 0 : i32
      %lt3A_220 = arith.cmpi slt, %select_n3A_213, %lt3A_219 : i32
      %ne3A_221 = arith.xori %lt3A_218, %lt3A_220 : i1
      %and3A_222 = arith.andi %ne3A_221, %ne3A_216 : i1
      %add3A_223 = arith.addi %rem3A_214, %select_n3A_213 : i32
      %select_n3A_224 = arith.select %and3A_222, %add3A_223, %rem3A_214 : i32
      %mul3A_225 = arith.constant 512 : i32
      %mul3A_226 = arith.muli %select_n3A_224, %mul3A_225 : i32
      %gt3A_227 = arith.constant 0 : i32
      %gt3A_228 = arith.cmpi sgt, %scan3A_119, %gt3A_227 : i32
      %convert_element_type3A_229 = arith.extui %gt3A_228 : i1 to i32
      %cond3A_230 = arith.constant 0 : i32
      %cond3A_231 = arith.cmpi ne, %convert_element_type3A_229, %cond3A_230 : i32
      scf.if %cond3A_231 {
        %sub3A_299 = arith.constant 2 : i32
        %sub3A_300 = arith.subi %add3A_184, %sub3A_299 : i32
        %jit3A_301 = arith.constant 8 : i32
        %div3A_302 = arith.divsi %sub3A_300, %jit3A_301 : i32
        %sign3A_303 = arith.constant 0 : i32
        %sign3A_304 = arith.cmpi sgt, %sub3A_300, %sign3A_303 : i32
        %sign3A_305 = arith.extui %sign3A_304 : i1 to i32
        %sign3A_306 = arith.constant 0 : i32
        %sign3A_307 = arith.cmpi slt, %sub3A_300, %sign3A_306 : i32
        %sign3A_308 = arith.extui %sign3A_307 : i1 to i32
        %sign3A_309 = arith.subi %sign3A_305, %sign3A_308 : i32
        %sign3A_310 = arith.constant 0 : i32
        %sign3A_311 = arith.cmpi sgt, %jit3A_301, %sign3A_310 : i32
        %sign3A_312 = arith.extui %sign3A_311 : i1 to i32
        %sign3A_313 = arith.constant 0 : i32
        %sign3A_314 = arith.cmpi slt, %jit3A_301, %sign3A_313 : i32
        %sign3A_315 = arith.extui %sign3A_314 : i1 to i32
        %sign3A_316 = arith.subi %sign3A_312, %sign3A_315 : i32
        %ne3A_317 = arith.cmpi ne, %sign3A_309, %sign3A_316 : i32
        %rem3A_318 = arith.remsi %sub3A_300, %jit3A_301 : i32
        %ne3A_319 = arith.constant 0 : i32
        %ne3A_320 = arith.cmpi ne, %rem3A_318, %ne3A_319 : i32
        %and3A_321 = arith.andi %ne3A_317, %ne3A_320 : i1
        %sub3A_322 = arith.constant 1 : i32
        %sub3A_323 = arith.subi %div3A_302, %sub3A_322 : i32
        %select_n3A_324 = arith.select %and3A_321, %sub3A_323, %div3A_302 : i32
        %sub3A_325 = arith.constant 2 : i32
        %sub3A_326 = arith.subi %add3A_184, %sub3A_325 : i32
        %jit3A_327 = arith.constant 8 : i32
        %eq3A_328 = arith.constant 0 : i32
        %eq3A_329 = arith.cmpi eq, %jit3A_327, %eq3A_328 : i32
        %jit3A_330 = arith.constant 1 : i32
        %select_n3A_331 = arith.select %eq3A_329, %jit3A_330, %jit3A_327 : i32
        %rem3A_332 = arith.remsi %sub3A_326, %select_n3A_331 : i32
        %ne3A_333 = arith.constant 0 : i32
        %ne3A_334 = arith.cmpi ne, %rem3A_332, %ne3A_333 : i32
        %lt3A_335 = arith.constant 0 : i32
        %lt3A_336 = arith.cmpi slt, %rem3A_332, %lt3A_335 : i32
        %lt3A_337 = arith.constant 0 : i32
        %lt3A_338 = arith.cmpi slt, %select_n3A_331, %lt3A_337 : i32
        %ne3A_339 = arith.xori %lt3A_336, %lt3A_338 : i1
        %and3A_340 = arith.andi %ne3A_339, %ne3A_334 : i1
        %add3A_341 = arith.addi %rem3A_332, %select_n3A_331 : i32
        %select_n3A_342 = arith.select %and3A_340, %add3A_341, %rem3A_332 : i32
        %mul3A_343 = arith.constant 512 : i32
        %mul3A_344 = arith.muli %select_n3A_342, %mul3A_343 : i32
        %dma_wait3A_345 = arith.constant 1 : i32
        %dma_wait3A_346 = arith.constant 0 : i32
        %dma_wait3A_347 = arith.constant 0 : i32
        %dma_wait3A_348 = tpu.memref_slice %arg6[%dma_wait3A_345, %dma_wait3A_346, %dma_wait3A_347] : memref<2x512x64xf32, #tpu.memory_space<vmem>> -> memref<1x512x64xf32, #tpu.memory_space<vmem>>
        %dma_wait3A_349 = tpu.memref_squeeze %dma_wait3A_348 : memref<1x512x64xf32, #tpu.memory_space<vmem>> -> memref<512x64xf32, #tpu.memory_space<vmem>>
        %dma_wait3A_350 = arith.constant 0 : i32
        %dma_wait3A_351 = tpu.memref_slice %arg4[%select_n3A_324, %mul3A_344, %dma_wait3A_350] : memref<200x4096x64xf32, #tpu.memory_space<hbm>> -> memref<1x512x64xf32, #tpu.memory_space<hbm>>
        %dma_wait3A_352 = tpu.memref_squeeze %dma_wait3A_351 : memref<1x512x64xf32, #tpu.memory_space<hbm>> -> memref<512x64xf32, #tpu.memory_space<hbm>>
        %dma_wait3A_353 = arith.constant 0 : i32
        %dma_wait3A_354 = tpu.memref_slice %arg4[%select_n3A_324, %mul3A_344, %dma_wait3A_353] : memref<200x4096x64xf32, #tpu.memory_space<hbm>> -> memref<1x512x64xf32, #tpu.memory_space<hbm>>
        %dma_wait3A_355 = tpu.memref_squeeze %dma_wait3A_354 : memref<1x512x64xf32, #tpu.memory_space<hbm>> -> memref<512x64xf32, #tpu.memory_space<hbm>>
        %dma_wait3A_356 = arith.constant 0 : i32
        %dma_wait3A_357 = arith.constant 0 : i32
        %dma_wait3A_358 = tpu.memref_slice %arg6[%dma_wait3A_345, %dma_wait3A_356, %dma_wait3A_357] : memref<2x512x64xf32, #tpu.memory_space<vmem>> -> memref<1x512x64xf32, #tpu.memory_space<vmem>>
        %dma_wait3A_359 = tpu.memref_squeeze %dma_wait3A_358 : memref<1x512x64xf32, #tpu.memory_space<vmem>> -> memref<512x64xf32, #tpu.memory_space<vmem>>
        tpu.wait_dma2 semaphore(%arg10 : memref<!tpu.dma_semaphore, #tpu.memory_space<semaphore_mem>>) src(%dma_wait3A_359 : memref<512x64xf32, #tpu.memory_space<vmem>>) dst(%dma_wait3A_355 : memref<512x64xf32, #tpu.memory_space<hbm>>)
      } else {
      }
      %run_scoped3A_232 = arith.constant 1 : i32
      "tpu.region"() ({
        %run_scoped3A_299 = tpu.sem_alloc : memref<!tpu.dma_semaphore, #tpu.memory_space<semaphore_mem>>
        %dma_start3A_300 = arith.constant 0 : i32
        %dma_start3A_301 = tpu.memref_slice %arg5[%run_scoped3A_232, %dma_start3A_300] : memref<2x512xi32, #tpu.memory_space<vmem>> -> memref<1x512xi32, #tpu.memory_space<vmem>>
        %dma_start3A_302 = tpu.memref_squeeze %dma_start3A_301 : memref<1x512xi32, #tpu.memory_space<vmem>> -> memref<512xi32, #tpu.memory_space<vmem>>
        %dma_start3A_303 = tpu.memref_slice %arg3[%select_n3A_208, %mul3A_226] : memref<200x4096xi32, #tpu.memory_space<hbm>> -> memref<1x512xi32, #tpu.memory_space<hbm>>
        %dma_start3A_304 = tpu.memref_squeeze %dma_start3A_303 : memref<1x512xi32, #tpu.memory_space<hbm>> -> memref<512xi32, #tpu.memory_space<hbm>>
        %dma_start3A_305 = arith.constant 0 : i32
        %dma_start3A_306 = tpu.memref_slice %arg5[%run_scoped3A_232, %dma_start3A_305] : memref<2x512xi32, #tpu.memory_space<vmem>> -> memref<1x512xi32, #tpu.memory_space<vmem>>
        %dma_start3A_307 = tpu.memref_squeeze %dma_start3A_306 : memref<1x512xi32, #tpu.memory_space<vmem>> -> memref<512xi32, #tpu.memory_space<vmem>>
        %dma_start3A_308 = tpu.memref_slice %arg3[%select_n3A_208, %mul3A_226] : memref<200x4096xi32, #tpu.memory_space<hbm>> -> memref<1x512xi32, #tpu.memory_space<hbm>>
        %dma_start3A_309 = tpu.memref_squeeze %dma_start3A_308 : memref<1x512xi32, #tpu.memory_space<hbm>> -> memref<512xi32, #tpu.memory_space<hbm>>
        tpu.enqueue_dma source(%dma_start3A_309 : memref<512xi32, #tpu.memory_space<hbm>>) target(%dma_start3A_307 : memref<512xi32, #tpu.memory_space<vmem>>) target_semaphore(%run_scoped3A_299 : memref<!tpu.dma_semaphore, #tpu.memory_space<semaphore_mem>>)
        %dma_wait3A_310 = arith.constant 0 : i32
        %dma_wait3A_311 = tpu.memref_slice %arg5[%run_scoped3A_232, %dma_wait3A_310] : memref<2x512xi32, #tpu.memory_space<vmem>> -> memref<1x512xi32, #tpu.memory_space<vmem>>
        %dma_wait3A_312 = tpu.memref_squeeze %dma_wait3A_311 : memref<1x512xi32, #tpu.memory_space<vmem>> -> memref<512xi32, #tpu.memory_space<vmem>>
        %dma_wait3A_313 = tpu.memref_slice %arg3[%select_n3A_208, %mul3A_226] : memref<200x4096xi32, #tpu.memory_space<hbm>> -> memref<1x512xi32, #tpu.memory_space<hbm>>
        %dma_wait3A_314 = tpu.memref_squeeze %dma_wait3A_313 : memref<1x512xi32, #tpu.memory_space<hbm>> -> memref<512xi32, #tpu.memory_space<hbm>>
        %dma_wait3A_315 = arith.constant 0 : i32
        %dma_wait3A_316 = tpu.memref_slice %arg5[%run_scoped3A_232, %dma_wait3A_315] : memref<2x512xi32, #tpu.memory_space<vmem>> -> memref<1x512xi32, #tpu.memory_space<vmem>>
        %dma_wait3A_317 = tpu.memref_squeeze %dma_wait3A_316 : memref<1x512xi32, #tpu.memory_space<vmem>> -> memref<512xi32, #tpu.memory_space<vmem>>
        %dma_wait3A_318 = tpu.memref_slice %arg3[%select_n3A_208, %mul3A_226] : memref<200x4096xi32, #tpu.memory_space<hbm>> -> memref<1x512xi32, #tpu.memory_space<hbm>>
        %dma_wait3A_319 = tpu.memref_squeeze %dma_wait3A_318 : memref<1x512xi32, #tpu.memory_space<hbm>> -> memref<512xi32, #tpu.memory_space<hbm>>
        tpu.wait_dma2 semaphore(%run_scoped3A_299 : memref<!tpu.dma_semaphore, #tpu.memory_space<semaphore_mem>>) src(%dma_wait3A_319 : memref<512xi32, #tpu.memory_space<hbm>>) dst(%dma_wait3A_317 : memref<512xi32, #tpu.memory_space<vmem>>)
        tpu.yield
      }) : () -> ()
      %dma_start3A_233 = arith.constant 1 : i32
      %dma_start3A_234 = arith.constant 1 : i32
      %dma_start3A_235 = arith.constant 0 : i32
      %dma_start3A_236 = arith.constant 0 : i32
      %dma_start3A_237 = tpu.memref_slice %arg6[%dma_start3A_234, %dma_start3A_235, %dma_start3A_236] : memref<2x512x64xf32, #tpu.memory_space<vmem>> -> memref<1x512x64xf32, #tpu.memory_space<vmem>>
      %dma_start3A_238 = tpu.memref_squeeze %dma_start3A_237 : memref<1x512x64xf32, #tpu.memory_space<vmem>> -> memref<512x64xf32, #tpu.memory_space<vmem>>
      %dma_start3A_239 = arith.constant 0 : i32
      %dma_start3A_240 = tpu.memref_slice %arg5[%dma_start3A_233, %dma_start3A_239] : memref<2x512xi32, #tpu.memory_space<vmem>> -> memref<1x512xi32, #tpu.memory_space<vmem>>
      %dma_start3A_241 = tpu.memref_squeeze %dma_start3A_240 : memref<1x512xi32, #tpu.memory_space<vmem>> -> memref<512xi32, #tpu.memory_space<vmem>>
      %dma_start3A_242 = arith.constant 0 : i32
      %dma_start3A_243 = arith.constant 0 : i32
      %dma_start3A_244 = tpu.memref_slice %arg2[%dma_start3A_242, %dma_start3A_243] : memref<1000000x64xf32, #tpu.memory_space<hbm>> -> memref<1000000x64xf32, #tpu.memory_space<hbm>>
      tpu.enqueue_indirect_dma source(%dma_start3A_244 : memref<1000000x64xf32, #tpu.memory_space<hbm>>) target(%dma_start3A_238 : memref<512x64xf32, #tpu.memory_space<vmem>>) offsets(%dma_start3A_241 : memref<512xi32, #tpu.memory_space<vmem>>) semaphore(%arg8 : memref<!tpu.dma_semaphore, #tpu.memory_space<semaphore_mem>>)
      %dma_wait3A_245 = arith.constant 0 : i32
      %dma_wait3A_246 = arith.constant 0 : i32
      %dma_wait3A_247 = arith.constant 0 : i32
      %dma_wait3A_248 = arith.constant 0 : i32
      %dma_wait3A_249 = tpu.memref_slice %arg6[%dma_wait3A_246, %dma_wait3A_247, %dma_wait3A_248] : memref<2x512x64xf32, #tpu.memory_space<vmem>> -> memref<1x512x64xf32, #tpu.memory_space<vmem>>
      %dma_wait3A_250 = tpu.memref_squeeze %dma_wait3A_249 : memref<1x512x64xf32, #tpu.memory_space<vmem>> -> memref<512x64xf32, #tpu.memory_space<vmem>>
      %dma_wait3A_251 = arith.constant 0 : i32
      %dma_wait3A_252 = tpu.memref_slice %arg5[%dma_wait3A_245, %dma_wait3A_251] : memref<2x512xi32, #tpu.memory_space<vmem>> -> memref<1x512xi32, #tpu.memory_space<vmem>>
      %dma_wait3A_253 = tpu.memref_squeeze %dma_wait3A_252 : memref<1x512xi32, #tpu.memory_space<vmem>> -> memref<512xi32, #tpu.memory_space<vmem>>
      %dma_wait3A_254 = arith.constant 0 : i32
      %dma_wait3A_255 = arith.constant 0 : i32
      %dma_wait3A_256 = tpu.memref_slice %arg2[%dma_wait3A_254, %dma_wait3A_255] : memref<1000000x64xf32, #tpu.memory_space<hbm>> -> memref<1000000x64xf32, #tpu.memory_space<hbm>>
      tpu.wait_indirect_dma semaphore(%arg7 : memref<!tpu.dma_semaphore, #tpu.memory_space<semaphore_mem>>) src(%dma_wait3A_256 : memref<1000000x64xf32, #tpu.memory_space<hbm>>) dst(%dma_wait3A_250 : memref<512x64xf32, #tpu.memory_space<vmem>>)
      %dma_start3A_257 = arith.constant 0 : i32
      %dma_start3A_258 = arith.constant 0 : i32
      %dma_start3A_259 = arith.constant 0 : i32
      %dma_start3A_260 = tpu.memref_slice %arg6[%dma_start3A_257, %dma_start3A_258, %dma_start3A_259] : memref<2x512x64xf32, #tpu.memory_space<vmem>> -> memref<1x512x64xf32, #tpu.memory_space<vmem>>
      %dma_start3A_261 = tpu.memref_squeeze %dma_start3A_260 : memref<1x512x64xf32, #tpu.memory_space<vmem>> -> memref<512x64xf32, #tpu.memory_space<vmem>>
      %dma_start3A_262 = arith.constant 0 : i32
      %dma_start3A_263 = tpu.memref_slice %arg4[%select_n3A_148, %mul3A_166, %dma_start3A_262] : memref<200x4096x64xf32, #tpu.memory_space<hbm>> -> memref<1x512x64xf32, #tpu.memory_space<hbm>>
      %dma_start3A_264 = tpu.memref_squeeze %dma_start3A_263 : memref<1x512x64xf32, #tpu.memory_space<hbm>> -> memref<512x64xf32, #tpu.memory_space<hbm>>
      %dma_start3A_265 = arith.constant 0 : i32
      %dma_start3A_266 = tpu.memref_slice %arg4[%select_n3A_148, %mul3A_166, %dma_start3A_265] : memref<200x4096x64xf32, #tpu.memory_space<hbm>> -> memref<1x512x64xf32, #tpu.memory_space<hbm>>
      %dma_start3A_267 = tpu.memref_squeeze %dma_start3A_266 : memref<1x512x64xf32, #tpu.memory_space<hbm>> -> memref<512x64xf32, #tpu.memory_space<hbm>>
      %dma_start3A_268 = arith.constant 0 : i32
      %dma_start3A_269 = arith.constant 0 : i32
      %dma_start3A_270 = tpu.memref_slice %arg6[%dma_start3A_257, %dma_start3A_268, %dma_start3A_269] : memref<2x512x64xf32, #tpu.memory_space<vmem>> -> memref<1x512x64xf32, #tpu.memory_space<vmem>>
      %dma_start3A_271 = tpu.memref_squeeze %dma_start3A_270 : memref<1x512x64xf32, #tpu.memory_space<vmem>> -> memref<512x64xf32, #tpu.memory_space<vmem>>
      tpu.enqueue_dma source(%dma_start3A_271 : memref<512x64xf32, #tpu.memory_space<vmem>>) target(%dma_start3A_267 : memref<512x64xf32, #tpu.memory_space<hbm>>) target_semaphore(%arg9 : memref<!tpu.dma_semaphore, #tpu.memory_space<semaphore_mem>>)
      %dma_wait3A_272 = arith.constant 1 : i32
      %dma_wait3A_273 = arith.constant 1 : i32
      %dma_wait3A_274 = arith.constant 0 : i32
      %dma_wait3A_275 = arith.constant 0 : i32
      %dma_wait3A_276 = tpu.memref_slice %arg6[%dma_wait3A_273, %dma_wait3A_274, %dma_wait3A_275] : memref<2x512x64xf32, #tpu.memory_space<vmem>> -> memref<1x512x64xf32, #tpu.memory_space<vmem>>
      %dma_wait3A_277 = tpu.memref_squeeze %dma_wait3A_276 : memref<1x512x64xf32, #tpu.memory_space<vmem>> -> memref<512x64xf32, #tpu.memory_space<vmem>>
      %dma_wait3A_278 = arith.constant 0 : i32
      %dma_wait3A_279 = tpu.memref_slice %arg5[%dma_wait3A_272, %dma_wait3A_278] : memref<2x512xi32, #tpu.memory_space<vmem>> -> memref<1x512xi32, #tpu.memory_space<vmem>>
      %dma_wait3A_280 = tpu.memref_squeeze %dma_wait3A_279 : memref<1x512xi32, #tpu.memory_space<vmem>> -> memref<512xi32, #tpu.memory_space<vmem>>
      %dma_wait3A_281 = arith.constant 0 : i32
      %dma_wait3A_282 = arith.constant 0 : i32
      %dma_wait3A_283 = tpu.memref_slice %arg2[%dma_wait3A_281, %dma_wait3A_282] : memref<1000000x64xf32, #tpu.memory_space<hbm>> -> memref<1000000x64xf32, #tpu.memory_space<hbm>>
      tpu.wait_indirect_dma semaphore(%arg8 : memref<!tpu.dma_semaphore, #tpu.memory_space<semaphore_mem>>) src(%dma_wait3A_283 : memref<1000000x64xf32, #tpu.memory_space<hbm>>) dst(%dma_wait3A_277 : memref<512x64xf32, #tpu.memory_space<vmem>>)
      %dma_start3A_284 = arith.constant 1 : i32
      %dma_start3A_285 = arith.constant 0 : i32
      %dma_start3A_286 = arith.constant 0 : i32
      %dma_start3A_287 = tpu.memref_slice %arg6[%dma_start3A_284, %dma_start3A_285, %dma_start3A_286] : memref<2x512x64xf32, #tpu.memory_space<vmem>> -> memref<1x512x64xf32, #tpu.memory_space<vmem>>
      %dma_start3A_288 = tpu.memref_squeeze %dma_start3A_287 : memref<1x512x64xf32, #tpu.memory_space<vmem>> -> memref<512x64xf32, #tpu.memory_space<vmem>>
      %dma_start3A_289 = arith.constant 0 : i32
      %dma_start3A_290 = tpu.memref_slice %arg4[%select_n3A_208, %mul3A_226, %dma_start3A_289] : memref<200x4096x64xf32, #tpu.memory_space<hbm>> -> memref<1x512x64xf32, #tpu.memory_space<hbm>>
      %dma_start3A_291 = tpu.memref_squeeze %dma_start3A_290 : memref<1x512x64xf32, #tpu.memory_space<hbm>> -> memref<512x64xf32, #tpu.memory_space<hbm>>
      %dma_start3A_292 = arith.constant 0 : i32
      %dma_start3A_293 = tpu.memref_slice %arg4[%select_n3A_208, %mul3A_226, %dma_start3A_292] : memref<200x4096x64xf32, #tpu.memory_space<hbm>> -> memref<1x512x64xf32, #tpu.memory_space<hbm>>
      %dma_start3A_294 = tpu.memref_squeeze %dma_start3A_293 : memref<1x512x64xf32, #tpu.memory_space<hbm>> -> memref<512x64xf32, #tpu.memory_space<hbm>>
      %dma_start3A_295 = arith.constant 0 : i32
      %dma_start3A_296 = arith.constant 0 : i32
      %dma_start3A_297 = tpu.memref_slice %arg6[%dma_start3A_284, %dma_start3A_295, %dma_start3A_296] : memref<2x512x64xf32, #tpu.memory_space<vmem>> -> memref<1x512x64xf32, #tpu.memory_space<vmem>>
      %dma_start3A_298 = tpu.memref_squeeze %dma_start3A_297 : memref<1x512x64xf32, #tpu.memory_space<vmem>> -> memref<512x64xf32, #tpu.memory_space<vmem>>
      tpu.enqueue_dma source(%dma_start3A_298 : memref<512x64xf32, #tpu.memory_space<vmem>>) target(%dma_start3A_294 : memref<512x64xf32, #tpu.memory_space<hbm>>) target_semaphore(%arg10 : memref<!tpu.dma_semaphore, #tpu.memory_space<semaphore_mem>>)
    }
    %scan3A_7 = arith.constant 25 : i32
    %add3A_8 = arith.constant 48 : i32
    %add3A_9 = arith.addi %mul3A_2, %add3A_8 : i32
    %add3A_10 = arith.constant 0 : i32
    %add3A_11 = arith.addi %add3A_9, %add3A_10 : i32
    %jit3A = arith.constant 8 : i32
    %div3A = arith.divsi %add3A_11, %jit3A : i32
    %sign3A = arith.constant 0 : i32
    %sign3A_12 = arith.cmpi sgt, %add3A_11, %sign3A : i32
    %sign3A_13 = arith.extui %sign3A_12 : i1 to i32
    %sign3A_14 = arith.constant 0 : i32
    %sign3A_15 = arith.cmpi slt, %add3A_11, %sign3A_14 : i32
    %sign3A_16 = arith.extui %sign3A_15 : i1 to i32
    %sign3A_17 = arith.subi %sign3A_13, %sign3A_16 : i32
    %sign3A_18 = arith.constant 0 : i32
    %sign3A_19 = arith.cmpi sgt, %jit3A, %sign3A_18 : i32
    %sign3A_20 = arith.extui %sign3A_19 : i1 to i32
    %sign3A_21 = arith.constant 0 : i32
    %sign3A_22 = arith.cmpi slt, %jit3A, %sign3A_21 : i32
    %sign3A_23 = arith.extui %sign3A_22 : i1 to i32
    %sign3A_24 = arith.subi %sign3A_20, %sign3A_23 : i32
    %ne3A = arith.cmpi ne, %sign3A_17, %sign3A_24 : i32
    %rem3A = arith.remsi %add3A_11, %jit3A : i32
    %ne3A_25 = arith.constant 0 : i32
    %ne3A_26 = arith.cmpi ne, %rem3A, %ne3A_25 : i32
    %and3A = arith.andi %ne3A, %ne3A_26 : i1
    %sub3A = arith.constant 1 : i32
    %sub3A_27 = arith.subi %div3A, %sub3A : i32
    %select_n3A = arith.select %and3A, %sub3A_27, %div3A : i32
    %jit3A_28 = arith.constant 8 : i32
    %eq3A = arith.constant 0 : i32
    %eq3A_29 = arith.cmpi eq, %jit3A_28, %eq3A : i32
    %jit3A_30 = arith.constant 1 : i32
    %select_n3A_31 = arith.select %eq3A_29, %jit3A_30, %jit3A_28 : i32
    %rem3A_32 = arith.remsi %add3A_11, %select_n3A_31 : i32
    %ne3A_33 = arith.constant 0 : i32
    %ne3A_34 = arith.cmpi ne, %rem3A_32, %ne3A_33 : i32
    %lt3A = arith.constant 0 : i32
    %lt3A_35 = arith.cmpi slt, %rem3A_32, %lt3A : i32
    %lt3A_36 = arith.constant 0 : i32
    %lt3A_37 = arith.cmpi slt, %select_n3A_31, %lt3A_36 : i32
    %ne3A_38 = arith.xori %lt3A_35, %lt3A_37 : i1
    %and3A_39 = arith.andi %ne3A_38, %ne3A_34 : i1
    %add3A_40 = arith.addi %rem3A_32, %select_n3A_31 : i32
    %select_n3A_41 = arith.select %and3A_39, %add3A_40, %rem3A_32 : i32
    %mul3A_42 = arith.constant 512 : i32
    %mul3A_43 = arith.muli %select_n3A_41, %mul3A_42 : i32
    %dma_wait3A = arith.constant 0 : i32
    %dma_wait3A_44 = arith.constant 0 : i32
    %dma_wait3A_45 = arith.constant 0 : i32
    %dma_wait3A_46 = tpu.memref_slice %arg6[%dma_wait3A, %dma_wait3A_44, %dma_wait3A_45] : memref<2x512x64xf32, #tpu.memory_space<vmem>> -> memref<1x512x64xf32, #tpu.memory_space<vmem>>
    %dma_wait3A_47 = tpu.memref_squeeze %dma_wait3A_46 : memref<1x512x64xf32, #tpu.memory_space<vmem>> -> memref<512x64xf32, #tpu.memory_space<vmem>>
    %dma_wait3A_48 = arith.constant 0 : i32
    %dma_wait3A_49 = tpu.memref_slice %arg4[%select_n3A, %mul3A_43, %dma_wait3A_48] : memref<200x4096x64xf32, #tpu.memory_space<hbm>> -> memref<1x512x64xf32, #tpu.memory_space<hbm>>
    %dma_wait3A_50 = tpu.memref_squeeze %dma_wait3A_49 : memref<1x512x64xf32, #tpu.memory_space<hbm>> -> memref<512x64xf32, #tpu.memory_space<hbm>>
    %dma_wait3A_51 = arith.constant 0 : i32
    %dma_wait3A_52 = tpu.memref_slice %arg4[%select_n3A, %mul3A_43, %dma_wait3A_51] : memref<200x4096x64xf32, #tpu.memory_space<hbm>> -> memref<1x512x64xf32, #tpu.memory_space<hbm>>
    %dma_wait3A_53 = tpu.memref_squeeze %dma_wait3A_52 : memref<1x512x64xf32, #tpu.memory_space<hbm>> -> memref<512x64xf32, #tpu.memory_space<hbm>>
    %dma_wait3A_54 = arith.constant 0 : i32
    %dma_wait3A_55 = arith.constant 0 : i32
    %dma_wait3A_56 = tpu.memref_slice %arg6[%dma_wait3A, %dma_wait3A_54, %dma_wait3A_55] : memref<2x512x64xf32, #tpu.memory_space<vmem>> -> memref<1x512x64xf32, #tpu.memory_space<vmem>>
    %dma_wait3A_57 = tpu.memref_squeeze %dma_wait3A_56 : memref<1x512x64xf32, #tpu.memory_space<vmem>> -> memref<512x64xf32, #tpu.memory_space<vmem>>
    tpu.wait_dma2 semaphore(%arg9 : memref<!tpu.dma_semaphore, #tpu.memory_space<semaphore_mem>>) src(%dma_wait3A_57 : memref<512x64xf32, #tpu.memory_space<vmem>>) dst(%dma_wait3A_53 : memref<512x64xf32, #tpu.memory_space<hbm>>)
    %add3A_58 = arith.constant 48 : i32
    %add3A_59 = arith.addi %mul3A_2, %add3A_58 : i32
    %add3A_60 = arith.constant 1 : i32
    %add3A_61 = arith.addi %add3A_59, %add3A_60 : i32
    %jit3A_62 = arith.constant 8 : i32
    %div3A_63 = arith.divsi %add3A_61, %jit3A_62 : i32
    %sign3A_64 = arith.constant 0 : i32
    %sign3A_65 = arith.cmpi sgt, %add3A_61, %sign3A_64 : i32
    %sign3A_66 = arith.extui %sign3A_65 : i1 to i32
    %sign3A_67 = arith.constant 0 : i32
    %sign3A_68 = arith.cmpi slt, %add3A_61, %sign3A_67 : i32
    %sign3A_69 = arith.extui %sign3A_68 : i1 to i32
    %sign3A_70 = arith.subi %sign3A_66, %sign3A_69 : i32
    %sign3A_71 = arith.constant 0 : i32
    %sign3A_72 = arith.cmpi sgt, %jit3A_62, %sign3A_71 : i32
    %sign3A_73 = arith.extui %sign3A_72 : i1 to i32
    %sign3A_74 = arith.constant 0 : i32
    %sign3A_75 = arith.cmpi slt, %jit3A_62, %sign3A_74 : i32
    %sign3A_76 = arith.extui %sign3A_75 : i1 to i32
    %sign3A_77 = arith.subi %sign3A_73, %sign3A_76 : i32
    %ne3A_78 = arith.cmpi ne, %sign3A_70, %sign3A_77 : i32
    %rem3A_79 = arith.remsi %add3A_61, %jit3A_62 : i32
    %ne3A_80 = arith.constant 0 : i32
    %ne3A_81 = arith.cmpi ne, %rem3A_79, %ne3A_80 : i32
    %and3A_82 = arith.andi %ne3A_78, %ne3A_81 : i1
    %sub3A_83 = arith.constant 1 : i32
    %sub3A_84 = arith.subi %div3A_63, %sub3A_83 : i32
    %select_n3A_85 = arith.select %and3A_82, %sub3A_84, %div3A_63 : i32
    %jit3A_86 = arith.constant 8 : i32
    %eq3A_87 = arith.constant 0 : i32
    %eq3A_88 = arith.cmpi eq, %jit3A_86, %eq3A_87 : i32
    %jit3A_89 = arith.constant 1 : i32
    %select_n3A_90 = arith.select %eq3A_88, %jit3A_89, %jit3A_86 : i32
    %rem3A_91 = arith.remsi %add3A_61, %select_n3A_90 : i32
    %ne3A_92 = arith.constant 0 : i32
    %ne3A_93 = arith.cmpi ne, %rem3A_91, %ne3A_92 : i32
    %lt3A_94 = arith.constant 0 : i32
    %lt3A_95 = arith.cmpi slt, %rem3A_91, %lt3A_94 : i32
    %lt3A_96 = arith.constant 0 : i32
    %lt3A_97 = arith.cmpi slt, %select_n3A_90, %lt3A_96 : i32
    %ne3A_98 = arith.xori %lt3A_95, %lt3A_97 : i1
    %and3A_99 = arith.andi %ne3A_98, %ne3A_93 : i1
    %add3A_100 = arith.addi %rem3A_91, %select_n3A_90 : i32
    %select_n3A_101 = arith.select %and3A_99, %add3A_100, %rem3A_91 : i32
    %mul3A_102 = arith.constant 512 : i32
    %mul3A_103 = arith.muli %select_n3A_101, %mul3A_102 : i32
    %dma_wait3A_104 = arith.constant 1 : i32
    %dma_wait3A_105 = arith.constant 0 : i32
    %dma_wait3A_106 = arith.constant 0 : i32
    %dma_wait3A_107 = tpu.memref_slice %arg6[%dma_wait3A_104, %dma_wait3A_105, %dma_wait3A_106] : memref<2x512x64xf32, #tpu.memory_space<vmem>> -> memref<1x512x64xf32, #tpu.memory_space<vmem>>
    %dma_wait3A_108 = tpu.memref_squeeze %dma_wait3A_107 : memref<1x512x64xf32, #tpu.memory_space<vmem>> -> memref<512x64xf32, #tpu.memory_space<vmem>>
    %dma_wait3A_109 = arith.constant 0 : i32
    %dma_wait3A_110 = tpu.memref_slice %arg4[%select_n3A_85, %mul3A_103, %dma_wait3A_109] : memref<200x4096x64xf32, #tpu.memory_space<hbm>> -> memref<1x512x64xf32, #tpu.memory_space<hbm>>
    %dma_wait3A_111 = tpu.memref_squeeze %dma_wait3A_110 : memref<1x512x64xf32, #tpu.memory_space<hbm>> -> memref<512x64xf32, #tpu.memory_space<hbm>>
    %dma_wait3A_112 = arith.constant 0 : i32
    %dma_wait3A_113 = tpu.memref_slice %arg4[%select_n3A_85, %mul3A_103, %dma_wait3A_112] : memref<200x4096x64xf32, #tpu.memory_space<hbm>> -> memref<1x512x64xf32, #tpu.memory_space<hbm>>
    %dma_wait3A_114 = tpu.memref_squeeze %dma_wait3A_113 : memref<1x512x64xf32, #tpu.memory_space<hbm>> -> memref<512x64xf32, #tpu.memory_space<hbm>>
    %dma_wait3A_115 = arith.constant 0 : i32
    %dma_wait3A_116 = arith.constant 0 : i32
    %dma_wait3A_117 = tpu.memref_slice %arg6[%dma_wait3A_104, %dma_wait3A_115, %dma_wait3A_116] : memref<2x512x64xf32, #tpu.memory_space<vmem>> -> memref<1x512x64xf32, #tpu.memory_space<vmem>>
    %dma_wait3A_118 = tpu.memref_squeeze %dma_wait3A_117 : memref<1x512x64xf32, #tpu.memory_space<vmem>> -> memref<512x64xf32, #tpu.memory_space<vmem>>
    tpu.wait_dma2 semaphore(%arg10 : memref<!tpu.dma_semaphore, #tpu.memory_space<semaphore_mem>>) src(%dma_wait3A_118 : memref<512x64xf32, #tpu.memory_space<vmem>>) dst(%dma_wait3A_114 : memref<512x64xf32, #tpu.memory_space<hbm>>)
    return
  }
}

</mosaic_0001>

<sc_bundles>
// kernel: kernel.3.cloned.1.call-start
scs
__scs_entry_jumppad:
0x0: {  	(pc) =	sbr.rel $0x88, $3  }
0x1: {  	(tag) =	ssettag $0x0;
	lr =	simm.s32 $0x1  }
0x2: {  	[smem:$0x3F9F] =	sst lr;
	_ =	strace $0xD0000000  }
0x3: {  	_ = 	snop  }
0x4: {  	_ = 	snop  }
0x5: {  	_ = 	snop  }
0x6: {  	_ = 	snop  }
0x7: {  	_ = 	snop  }
__scs_overlays_trampoline_lowered:
0x8: {  	[smem:$0x3FAE] =	sst s0  }
0x9: {  	[smem:$0x3FAF] =	sst s1  }
0xa: {  	[smem:$0x3FB0] =	sst s2  }
0xb: {  	[smem:$0x3FB1] =	sst s3  }
0xc: {  	[smem:$0x3FB2] =	sst s4  }
0xd: {  	[smem:$0x3FB3] =	sst s5  }
0xe: {  	[smem:$0x3FB4] =	sst s6  }
0xf: {  	[smem:$0x3FB5] =	sst s7  }
0x10: {  	[smem:$0x3FB6] =	sst s8  }
0x11: {  	[smem:$0x3FB7] =	sst s9;
	s0 =	simm.s32 @!p0 $0x0  }
0x12: {  	s1 =	sld [smem:$0x3F9D];
	s0 =	simm.s32 @p0 $0x1  }
0x13: {  	[smem:$0x3FB8] =	sst s0;
	s0 =	simm.s32 @!p1 $0x0  }
0x14: {  	s2 =	sld [smem:$0x3F9C];
	s0 =	simm.s32 @p1 $0x1  }
0x15: {  	[smem:$0x3FB9] =	sst s0;
	s0 =	simm.s32 @!p2 $0x0  }
0x16: {  	s3 =	sld [smem:$0x3FDB];
	s0 =	simm.s32 @p2 $0x1  }
0x17: {  	s4 =	simm.s32 $0x1BF5;
	[smem:$0x3FBB] =	sst s0  }
0x18: {  	s0 =	sld [smem:$0x3F9E];
	_ =	swait.ge [sflag:s4], $0x0  }
0x19: {  	s7 =	sld [smem:$0x3F9F]  }
0x1a: {  	s8 =	sadd.s32 $0xFFFFE003, lr  }
0x1b: {  	s9 =	sadd.s32 $0xFFFFFEF7, lr;
	s5 =	simm.s32 $0xFFFFFFFF;
	p2 =	slt.u32 s8, $0xFFFFF086  }
0x1c: {  	p1 =	slt.u32 s9, $0xF7A;
	s5 =	simm.s32 @!p2 $0x0  }
0x1d: {  	s5 =	simm.s32 @p1 $0x1;
	p0 =	seq.s32 s7, s2  }
0x1e: {  	s7 =	smul.u32 @!p0 $0xF7A, s2;
	p2 =	seq.s32 @!p0 s5, $0x0  }
0x1f: {  	s9 =	smul.u32 $0xF7A, s1;
	s8 =	simm.s32 @!p0 $0x1BF5;
	p2 =	por !p2, p0  }
0x20: {  	[sflag:s8] =	ssyncset.s32 @!p0 $0xFFFFF086;
	s6 =	sadd.s32 @!p0 s3, s7;
	s7 =	simm.s32 @!p0 $0x108  }
0x21: {  	s3 =	sadd.s32 s3, s9;
	s6 =	sadd.s32 @!p0 $0x88, s6;
	s7 =	simm.s32 @p2 $0x1082  }
0x22: {  	[simem:s7], [sflag:s8] =	dma.local @!p0 [hbm:s6], $0xF7A  }
0x23: {  	s9 =	sor.u32 $0xD0000000, s2;
	s6 =	simm.s32 $0x108;
	_ =	swait.ge @!p0 [sflag:s8], $0x0  }
0x24: {  	s3 =	sadd.s32 $0x88, s3;
	s6 =	simm.s32 @!p1 $0x1082;
	[sflag:s4] =	ssyncset.s32 $0xFFFFF086  }
0x25: {  	[simem:s6], [sflag:s4] =	dma.local [hbm:s3], $0xF7A  }
0x26: {  	[smem:$0x3F9F] =	sst s1;
	(tag) =	ssettag s2;
	_ =	strace s9  }
0x27: {  	s1 =	sld [smem:$0x3FAF]  }
0x28: {  	s2 =	sld [smem:$0x3FB0]  }
0x29: {  	s4 =	sld [smem:$0x3FB2]  }
0x2a: {  	p0 =	seq.s32 s5, $0x0;
	s5 =	sld [smem:$0x3FB3]  }
0x2b: {  	s6 =	sld [smem:$0x3FB4]  }
0x2c: {  	s7 =	sld [smem:$0x3FB5]  }
0x2d: {  	s3 =	simm.s32 $0x108;
	s8 =	sld [smem:$0x3FB6]  }
0x2e: {  	s3 =	simm.s32 @!p0 $0x1082;
	s9 =	sld [smem:$0x3FB7]  }
0x2f: {  	lr =	sadd.s32 s0, s3;
	s0 =	sld [smem:$0x3FAE]  }
0x30: {  	s3 =	sld [smem:$0x3FB1]  }
0x31: {  	[smem:$0x3FBA] =	sst s10  }
0x32: {  	s10 =	sld [smem:$0x3FB8];
	_ =	sdelay $0x3  }
0x33: {  	p0 =	seq.s32 s10, $0x1;
	s10 =	sld [smem:$0x3FBA];
	_ =	sdelay $0x3  }
0x34: {  	[smem:$0x3FBA] =	sst s10  }
0x35: {  	s10 =	sld [smem:$0x3FB9];
	_ =	sdelay $0x3  }
0x36: {  	p1 =	seq.s32 s10, $0x1;
	s10 =	sld [smem:$0x3FBA];
	_ =	sdelay $0x3  }
0x37: {  	[smem:$0x3FBA] =	sst s10  }
0x38: {  	s10 =	sld [smem:$0x3FBB]  }
0x39: {  	_ = 	snop;
	(pc) =	sbr.ind lr, $3  }
0x3a: {  	_ = 	snop  }
0x3b: {  	_ = 	snop  }
0x3c: {  	p2 =	seq.s32 s10, $0x1;
	s10 =	sld [smem:$0x3FBA]  }
0x3d: {  	_ =	shalt  }
0x3e: {  	_ =	shalt  }
0x3f: {  	_ =	shalt  }
0x40: {  	_ =	shalt  }
0x41: {  	_ =	shalt  }
0x42: {  	_ =	shalt  }
0x43: {  	_ =	shalt  }
0x44: {  	_ =	shalt  }
0x45: {  	_ =	shalt  }
0x46: {  	_ =	shalt  }
0x47: {  	_ =	shalt  }
0x48: {  	_ =	shalt  }
0x49: {  	_ =	shalt  }
0x4a: {  	_ =	shalt  }
0x4b: {  	_ =	shalt  }
0x4c: {  	_ =	shalt  }
0x4d: {  	_ =	shalt  }
0x4e: {  	_ =	shalt  }
0x4f: {  	_ =	shalt  }
0x50: {  	_ =	shalt  }
0x51: {  	_ =	shalt  }
0x52: {  	_ =	shalt  }
0x53: {  	_ =	shalt  }
0x54: {  	_ =	shalt  }
0x55: {  	_ =	shalt  }
0x56: {  	_ =	shalt  }
0x57: {  	_ =	shalt  }
0x58: {  	_ =	shalt  }
0x59: {  	_ =	shalt  }
0x5a: {  	_ =	shalt  }
0x5b: {  	_ =	shalt  }
0x5c: {  	_ =	shalt  }
0x5d: {  	_ =	shalt  }
0x5e: {  	_ =	shalt  }
0x5f: {  	_ =	shalt  }
0x60: {  	_ =	shalt  }
0x61: {  	_ =	shalt  }
0x62: {  	_ =	shalt  }
0x63: {  	_ =	shalt  }
0x64: {  	_ =	shalt  }
0x65: {  	_ =	shalt  }
0x66: {  	_ =	shalt  }
0x67: {  	_ =	shalt  }
0x68: {  	_ =	shalt  }
0x69: {  	_ =	shalt  }
0x6a: {  	_ =	shalt  }
0x6b: {  	_ =	shalt  }
0x6c: {  	_ =	shalt  }
0x6d: {  	_ =	shalt  }
0x6e: {  	_ =	shalt  }
0x6f: {  	_ =	shalt  }
0x70: {  	_ =	shalt  }
0x71: {  	_ =	shalt  }
0x72: {  	_ =	shalt  }
0x73: {  	_ =	shalt  }
0x74: {  	_ =	shalt  }
0x75: {  	_ =	shalt  }
0x76: {  	_ =	shalt  }
0x77: {  	_ =	shalt  }
0x78: {  	_ =	shalt  }
0x79: {  	_ =	shalt  }
0x7a: {  	_ =	shalt  }
0x7b: {  	_ =	shalt  }
0x7c: {  	_ =	shalt  }
0x7d: {  	_ =	shalt  }
0x7e: {  	_ =	shalt  }
0x7f: {  	_ =	shalt  }
0x80: {  	_ =	shalt  }
0x81: {  	_ =	shalt  }
0x82: {  	_ =	shalt  }
0x83: {  	_ =	shalt  }
0x84: {  	_ =	shalt  }
0x85: {  	_ =	shalt  }
0x86: {  	_ =	shalt  }
0x87: {  	_ =	shalt  }
.Lfunc_end0:
.L_simem_size_0:
called_computation.1_lowered:
.L_overlay_start_0:
0x88: {  	s2 =	sld [smem:$0x3FD9]  }
0x89: {  	s3 =	sld [smem:$0x3FFE];
	_ =	sdelay $0x1  }
0x8a: {  	s1 =	srdreg.scid  }
0x8b: {  	s0 =	sand.u32 $0x1, s1  }
0x8c: {  	s17 =	sshll.u32 s0, $0xA;
	s2 =	sadd.s32 s3, s2  }
0x8d: {  	s2 =	sadd.s32 s2, s17  }
0x8e: {  	[smem:$0x3FC6] =	sst s2  }
0x8f: {  	_ = 	snop  }
0x90: {  	s2 =	sld [smem:$0x3FD0];
	(tm) =	ssettm $0x1  }
0x91: {  	s18 =	sld [smem:$0x3FFB];
	_ =	sdelay $0x3  }
0x92: {  	_ =	strace s18  }
0x93: {  	s3 =	sld [smem:$0x3FFC];
	_ =	sdelay $0x3  }
0x94: {  	_ =	strace s3  }
0x95: {  	s3 =	sld [smem:$0x3FFD];
	_ =	sdelay $0x3  }
0x96: {  	_ =	strace s3  }
0x97: {  	_ =	strace $0x8FFFFFFF  }
0x98: {  	s19 =	sld [smem:$0x3FDB];
	_ =	sdelay $0x1  }
0x99: {  	s4 =	simm.s32 $_scs_section_size  }
0x9a: {  	s5 =	simm.s32 $_size__tile_overlayer_lowered;
	s6 =	simm.s32 $_tile_overlayer_lowered  }
0x9b: {  	s22 =	simm.s32 $0x1BFF;
	s21 =	sshll.u32 s6, $0x1;
	s3 =	sadd.s32 s4, s19  }
0x9c: {  	s7 =	simm.s32 $0x0;
	s20 =	sshll.u32 s5, $0x1;
	s5 =	sadd.s32 s21, s3  }
0x9d: {  	[timem:s7], [sflag:s22] =	dma.local [hbm:s5], s20  }
0x9e: {  	_ =	swait.ge [sflag:s22], s20  }
0x9f: {  	s4 =	ssub.s32 $0x0, s20;
	[sflag:s22] =	ssyncset.done $0x0  }
0xa0: {  	[sflag:s22] =	ssyncadd.s32 s4;
	_ =	sdelay $0x1  }
0xa1: {  	s23 =	simm.s32 $0x1B8B  }
0xa2: {  	_ =	swait.ge [sflag:s23], $0x1  }
0xa3: {  	[sflag:s23] =	ssyncset.done $0x0  }
0xa4: {  	s25 =	simm.s32 $0x1B8E;
	s24 =	sld [smem:$0x3FFE];
	[sflag:s23] =	ssyncadd.s32 $0xFFFFFFFF  }
0xa5: {  	s26 =	simm.s32 $execute0_lowered;
	[smem:$0x3FD2] =	sst s25  }
0xa6: {  	s5 =	sshll.u32 s26, $0x1;
	_ =	strace $0x80000046;
	[dreg:$0x1] =	wrdreg $0xFFFFFFFF  }
0xa7: {  	s28 =	simm.s32 $_size_execute0_lowered;
	s3 =	sadd.s32 s3, s5;
	[dreg:$0x0] =	wrdreg $0x0  }
0xa8: {  	s5 =	sshll.u32 s28, $0x1;
	[dreg:$0x2] =	wrdreg s3  }
0xa9: {  	[dreg:$0x3] =	wrdreg s5  }
0xaa: {  	[dreg:$0x4] =	wrdreg $0xC0  }
0xab: {  	_ =	task [dreg:s7], $0x5FFFF  }
0xac: {  	[dreg:$0x1] =	wrdreg $0xFFFFFFFF  }
0xad: {  	[dreg:$0x0] =	wrdreg $0x60  }
0xae: {  	[dreg:$0x2] =	wrdreg s24  }
0xaf: {  	[dreg:$0x3] =	wrdreg s2  }
0xb0: {  	[dreg:$0x4] =	wrdreg $0x9  }
0xb1: {  	_ =	task.clear_ibuf [dreg:s7], $0x5FFFF;
	_ =	strace $0x90000046  }
0xb2: {  	s29 =	simm.s32 $0x9;
	_ =	strace $0x80000048  }
0xb3: {  	_ =	swait.ge [sflag:s29], $0x1  }
0xb4: {  	[sflag:s29] =	ssyncadd.s32 $0xFFFFFFFF  }
0xb5: {  	_ =	strace $0x90000048  }
0xb6: {  	_ =	sfence  }
0xb7: {  	s30 =	sld [smem:$0x0];
	_ =	sdelay $0x2  }
0xb8: {  	s31 =	sshll.u32 s1, $0xD;
	s1 =	sshrl.u32 s1, $0x2  }
0xb9: {  	s3 =	sand.u32 $0x4000, s31;
	s1 =	sadd.s32 s1, s30  }
0xba: {  	s0 =	sor.u32 s3, s0;
	s1 =	sshll.u32 s1, $0x11  }
0xbb: {  	s0 =	sor.u32 s1, s0  }
0xbc: {  	s0 =	sadd.s32 $0x8F2B, s0  }
0xbd: {  	[sflag:s0] =	ssyncadd.remote.s32 $0x1  }
0xbe: {  	_ =	sfence.sel $0xFFFF  }
0xbf: {  	[dreg:$0x0] =	wrdreg $0xFFFFFFFF;
	(pc) =	sbr.abs _section_cstart, $3  }
0xc0: {  	[dreg:$0x1] =	wrdreg $0xFFFFFFFF  }
0xc1: {  	_ =	task.clear_ibuf [dreg:s7], $0x2FFFF;
	_ =	strace $0x9FFFFFFF  }
0xc2: {  	(tm) =	ssettm $0x7FFFFFFF  }
0xc3: {  	_ =	shalt  }
tec
execute0_lowered:
.L_overlay_start_1:
0x0: {  	(tag) =	ssettag $0x1  }
0x1: {  	s5 =	rddreg [dreg:$0x0]  }
0x2: {  	s2 =	rddreg [dreg:$0x1];
	s3 =	simm.s32 $0x0  }
0x3: {  	s4 =	srdreg.scid;
	s0 =	stileid.u32;
	s15 =	simm.s32 $0x400  }
0x4: {  	s16 =	simm.s32 $0x8400;
	s17 =	simm.s32 $0x1;
	s18 =	simm.s32 $0x3  }
0x5: {  	s19 =	simm.s32 $0x4;
	s20 =	simm.s32 $0x2;
	s21 =	simm.s32 $0x0  }
0x6: {  	[smem:$0x7FF] =	sst s3;
	s6 =	sand.u32 $0x1, s4;
	s26 =	sshll.u32 s0, $0x1  }
0x7: {  	s4 =	sadd.s32 $0xF42E00, s5;
	s5 =	sadd.s32 $0xA00, s5;
	s13 =	smul.u32 $0x64, s0  }
0x8: {  	_ =	strace $0x80000047;
	s7 =	sor.u32 s6, s26;
	s9 =	ssub.s32 $0x2, s6  }
0x9: {  	s8 =	smul.u32 $0x32, s7;
	s7 =	sshll.u32 s7, $0xA;
	s10 =	sshrl.u32 s9, $0x1  }
0xa: {  	s14 =	smul.u32 $0x32, s6;
	s12 =	sand.u32 $0xC00, s7;
	s28 =	ssub.s32 s9, s10  }
0xb: {  	s11 =	sshrl.u32 s8, $0x3;
	s29 =	sor.u32 $0x200, s12;
	s6 =	smax.u32 s28, $0x1  }
0xc: {  	s8 =	sshll.u32 s11, $0xC;
	s11 =	sshll.u32 s11, $0xF;
	s31 =	sshll.u32 s29, $0x3  }
0xd: {  	s30 =	sor.u32 s12, s8;
	s8 =	sor.u32 s8, s29;
	s12 =	sshll.u32 s12, $0x3  }
0xe: {  	s11 =	sadd.s32 s2, s11;
	s9 =	sshrl.u32 s30, $0x3;
	s8 =	sshrl.u32 s8, $0x3  }
0xf: {  	s10 =	sadd.s32 s12, s11;
	s7 =	sadd.s32 s5, s9;
	s9 =	sadd.s32 s14, s13  }
0x10: {  	s11 =	sadd.s32 s31, s11;
	s8 =	sadd.s32 s5, s8;
	s14 =	sshll.u32 s9, $0x9  }
0x11: {  	s13 =	simm.s32 $0x5;
	s12 =	sadd.s32 $0x400, s14;
	s14 =	simm.s32 $0x200  }
.LBB2_1:
0x12: {  	[tilespmem:s3], [sflag:$0x5] =	stream.linear.gather [hbm4b:s7+s3], $0x200, $0x38;
	[tilespmem:$0x10400] =	vst v63  }
0x13: {  	_ =	swait.ge [sflag:s13], $0x200  }
0x14: {  	[sflag:s13] =	ssyncset.done $0x0  }
0x15: {  	[sflag:s13] =	ssyncadd.s32 $0xFFFFFE00  }
0x16: {  	[tilespmem:s15], [sflag:$0x1] =	stream.indirect.gather [hbm4b:s4+s14], $0x40, s3, s14, $0xb8;
	[tilespmem:$0x10400] =	vst v63  }
0x17: {  	_ = 	snop  }
0x18: {  	[tilespmem:s14], [sflag:$0x5] =	stream.linear.gather [hbm4b:s8+s3], $0x200, $0x38;
	[tilespmem:$0x10400] =	vst v63  }
0x19: {  	_ =	swait.ge [sflag:s13], $0x200  }
0x1a: {  	[sflag:s13] =	ssyncset.done $0x0  }
0x1b: {  	[sflag:s13] =	ssyncadd.s32 $0xFFFFFE00  }
0x1c: {  	[tilespmem:s16], [sflag:$0x2] =	stream.indirect.gather [hbm4b:s4+s14], $0x40, s14, s14, $0xb8;
	[tilespmem:$0x10400] =	vst v63  }
0x1d: {  	_ =	swait.ge [sflag:s17], $0x8000  }
0x1e: {  	[sflag:s17] =	ssyncset.done $0x0  }
0x1f: {  	[sflag:s17] =	ssyncadd.s32 $0xFFFF8000  }
0x20: {  	[hbm4b:s10+s3] =	stream.linear.scatter [tilespmem:s15], [sflag:$0x3], $0x8000, $0x38;
	[tilespmem:$0x10400] =	vst v63  }
0x21: {  	s22 =	sadd.s32 $0x2, s9;
	_ =	swait.ge [sflag:s20], $0x8000  }
0x22: {  	s22 =	sshrl.u32 s22, $0x3;
	[sflag:s20] =	ssyncset.done $0x0  }
0x23: {  	s23 =	sand.u32 $0xC00, s12;
	s24 =	sshll.u32 s22, $0xC;
	[sflag:s20] =	ssyncadd.s32 $0xFFFF8000  }
0x24: {  	[hbm4b:s11+s3] =	stream.linear.scatter [tilespmem:s16], [sflag:$0x4], $0x8000, $0x38;
	[tilespmem:$0x10400] =	vst v63  }
0x25: {  	s25 =	sor.u32 s23, s24;
	_ =	swait.ge [sflag:s18], $0x8000  }
0x26: {  	s25 =	sshrl.u32 s25, $0x3;
	[sflag:s18] =	ssyncset.done $0x0  }
0x27: {  	s25 =	sadd.s32 s5, s25;
	[sflag:s18] =	ssyncadd.s32 $0xFFFF8000  }
0x28: {  	[tilespmem:s3], [sflag:$0x5] =	stream.linear.gather [hbm4b:s25+s3], $0x200, $0x38;
	[tilespmem:$0x10400] =	vst v63  }
0x29: {  	_ =	swait.ge [sflag:s13], $0x200  }
0x2a: {  	[sflag:s13] =	ssyncset.done $0x0  }
0x2b: {  	s28 =	sor.u32 $0x200, s23;
	[sflag:s13] =	ssyncadd.s32 $0xFFFFFE00  }
0x2c: {  	[tilespmem:s15], [sflag:$0x1] =	stream.indirect.gather [hbm4b:s4+s14], $0x40, s3, s14, $0xb8;
	[tilespmem:$0x10400] =	vst v63  }
0x2d: {  	s24 =	sor.u32 s24, s28;
	_ =	swait.ge [sflag:s19], $0x8000  }
0x2e: {  	s24 =	sshrl.u32 s24, $0x3;
	[sflag:s19] =	ssyncset.done $0x0  }
0x2f: {  	s24 =	sadd.s32 s5, s24;
	[sflag:s19] =	ssyncadd.s32 $0xFFFF8000  }
0x30: {  	[tilespmem:s14], [sflag:$0x5] =	stream.linear.gather [hbm4b:s24+s3], $0x200, $0x38;
	[tilespmem:$0x10400] =	vst v63  }
0x31: {  	_ =	swait.ge [sflag:s13], $0x200  }
0x32: {  	[sflag:s13] =	ssyncset.done $0x0  }
0x33: {  	[sflag:s13] =	ssyncadd.s32 $0xFFFFFE00  }
0x34: {  	[tilespmem:s16], [sflag:$0x2] =	stream.indirect.gather [hbm4b:s4+s14], $0x40, s14, s14, $0xb8;
	[tilespmem:$0x10400] =	vst v63  }
0x35: {  	s22 =	sshll.u32 s22, $0xF;
	_ =	swait.ge [sflag:s17], $0x8000  }
0x36: {  	s30 =	sshll.u32 s23, $0x3;
	s25 =	sadd.s32 s2, s22;
	[sflag:s17] =	ssyncset.done $0x0  }
0x37: {  	s31 =	sadd.s32 $0x400, s12;
	s22 =	sadd.s32 s30, s25;
	[sflag:s17] =	ssyncadd.s32 $0xFFFF8000  }
0x38: {  	[hbm4b:s22+s3] =	stream.linear.scatter [tilespmem:s15], [sflag:$0x3], $0x8000, $0x38;
	[tilespmem:$0x10400] =	vst v63  }
0x39: {  	s26 =	simm.s32 $0x6;
	s29 =	sadd.s32 $0x4, s9;
	s22 =	sand.u32 $0xC00, s31  }
0x3a: {  	s28 =	sshll.u32 s28, $0x3;
	s24 =	sadd.s32 $0x400, s31;
	s23 =	sor.u32 $0x200, s22  }
.LBB2_2:
0x3b: {  	s29 =	sshrl.u32 s29, $0x3;
	s25 =	sadd.s32 s28, s25  }
0x3c: {  	s30 =	smov.u32 s22;
	s22 =	sand.u32 $0xC00, s24;
	s31 =	smov.u32 s26  }
0x3d: {  	s28 =	sshll.u32 s29, $0xC;
	s29 =	sshll.u32 s29, $0xF;
	_ =	swait.ge [sflag:s20], $0x8000  }
0x3e: {  	s0 =	sor.u32 s30, s28;
	s28 =	sor.u32 s28, s23;
	[sflag:s20] =	ssyncset.done $0x0  }
0x3f: {  	s0 =	sshrl.u32 s0, $0x3;
	s28 =	sshrl.u32 s28, $0x3;
	[sflag:s20] =	ssyncadd.s32 $0xFFFF8000  }
0x40: {  	[hbm4b:s25+s3] =	stream.linear.scatter [tilespmem:s16], [sflag:$0x4], $0x8000, $0x38;
	[tilespmem:$0x10400] =	vst v63  }
0x41: {  	s1 =	sadd.s32 $0x2, s26;
	s25 =	sadd.s32 s2, s29;
	_ =	swait.ge [sflag:s18], $0x8000  }
0x42: {  	p0 =	sne.s32 s26, $0x30;
	[sflag:s18] =	ssyncset.done $0x0  }
0x43: {  	s0 =	sadd.s32 s5, s0;
	[sflag:s18] =	ssyncadd.s32 $0xFFFF8000  }
0x44: {  	[tilespmem:s3], [sflag:$0x5] =	stream.linear.gather [hbm4b:s0+s3], $0x200, $0x38;
	[tilespmem:$0x10400] =	vst v63  }
0x45: {  	_ =	swait.ge [sflag:s13], $0x200  }
0x46: {  	[sflag:s13] =	ssyncset.done $0x0  }
0x47: {  	[sflag:s13] =	ssyncadd.s32 $0xFFFFFE00  }
0x48: {  	[tilespmem:s15], [sflag:$0x1] =	stream.indirect.gather [hbm4b:s4+s14], $0x40, s3, s14, $0xb8;
	[tilespmem:$0x10400] =	vst v63  }
0x49: {  	_ =	swait.ge [sflag:s19], $0x8000  }
0x4a: {  	[sflag:s19] =	ssyncset.done $0x0  }
0x4b: {  	s0 =	sadd.s32 s5, s28;
	[sflag:s19] =	ssyncadd.s32 $0xFFFF8000  }
0x4c: {  	[tilespmem:s14], [sflag:$0x5] =	stream.linear.gather [hbm4b:s0+s3], $0x200, $0x38;
	[tilespmem:$0x10400] =	vst v63  }
0x4d: {  	_ =	swait.ge [sflag:s13], $0x200  }
0x4e: {  	[sflag:s13] =	ssyncset.done $0x0  }
0x4f: {  	[sflag:s13] =	ssyncadd.s32 $0xFFFFFE00  }
0x50: {  	[tilespmem:s16], [sflag:$0x2] =	stream.indirect.gather [hbm4b:s4+s14], $0x40, s14, s14, $0xb8;
	[tilespmem:$0x10400] =	vst v63  }
.Ltmp0:
0x51: {  	s24 =	sadd.s32 $0x400, s24;
	(pc) =	sbr.rel @p0 .LBB2_2-.Ltmp0, $4  }
0x52: {  	s26 =	smov.u32 s1;
	s28 =	sshll.u32 s23, $0x3;
	_ =	swait.ge [sflag:s17], $0x8000  }
0x53: {  	s23 =	sor.u32 $0x200, s22;
	s0 =	sshll.u32 s30, $0x3;
	[sflag:s17] =	ssyncset.done $0x0  }
0x54: {  	s29 =	sadd.s32 s31, s9;
	s0 =	sadd.s32 s0, s25;
	[sflag:s17] =	ssyncadd.s32 $0xFFFF8000  }
0x55: {  	[hbm4b:s0+s3] =	stream.linear.scatter [tilespmem:s15], [sflag:$0x3], $0x8000, $0x38;
	[tilespmem:$0x10400] =	vst v63  }
0x56: {  	_ =	swait.ge [sflag:s20], $0x8000  }
0x57: {  	s0 =	sshrl.u32 s29, $0x3;
	[sflag:s20] =	ssyncset.done $0x0  }
0x58: {  	s1 =	sadd.s32 s28, s25;
	s24 =	sshll.u32 s0, $0xC;
	[sflag:s20] =	ssyncadd.s32 $0xFFFF8000  }
0x59: {  	[hbm4b:s1+s3] =	stream.linear.scatter [tilespmem:s16], [sflag:$0x4], $0x8000, $0x38;
	[tilespmem:$0x10400] =	vst v63  }
0x5a: {  	s28 =	sor.u32 s22, s24;
	_ =	swait.ge [sflag:s18], $0x8000  }
0x5b: {  	s1 =	sshrl.u32 s28, $0x3;
	[sflag:s18] =	ssyncset.done $0x0  }
0x5c: {  	s1 =	sadd.s32 s5, s1;
	[sflag:s18] =	ssyncadd.s32 $0xFFFF8000  }
0x5d: {  	[tilespmem:s3], [sflag:$0x5] =	stream.linear.gather [hbm4b:s1+s3], $0x200, $0x38;
	[tilespmem:$0x10400] =	vst v63  }
0x5e: {  	_ =	swait.ge [sflag:s13], $0x200  }
0x5f: {  	[sflag:s13] =	ssyncset.done $0x0  }
0x60: {  	[sflag:s13] =	ssyncadd.s32 $0xFFFFFE00  }
0x61: {  	[tilespmem:s15], [sflag:$0x1] =	stream.indirect.gather [hbm4b:s4+s14], $0x40, s3, s14, $0xb8;
	[tilespmem:$0x10400] =	vst v63  }
0x62: {  	s29 =	sor.u32 s24, s23;
	_ =	swait.ge [sflag:s19], $0x8000  }
0x63: {  	s1 =	sshrl.u32 s29, $0x3;
	[sflag:s19] =	ssyncset.done $0x0  }
0x64: {  	s1 =	sadd.s32 s5, s1;
	[sflag:s19] =	ssyncadd.s32 $0xFFFF8000  }
0x65: {  	[tilespmem:s14], [sflag:$0x5] =	stream.linear.gather [hbm4b:s1+s3], $0x200, $0x38;
	[tilespmem:$0x10400] =	vst v63  }
0x66: {  	_ =	swait.ge [sflag:s13], $0x200  }
0x67: {  	[sflag:s13] =	ssyncset.done $0x0  }
0x68: {  	[sflag:s13] =	ssyncadd.s32 $0xFFFFFE00  }
0x69: {  	[tilespmem:s16], [sflag:$0x2] =	stream.indirect.gather [hbm4b:s4+s14], $0x40, s14, s14, $0xb8;
	[tilespmem:$0x10400] =	vst v63  }
0x6a: {  	s0 =	sshll.u32 s0, $0xF;
	_ =	swait.ge [sflag:s17], $0x8000  }
0x6b: {  	s30 =	sshll.u32 s22, $0x3;
	s0 =	sadd.s32 s2, s0;
	[sflag:s17] =	ssyncset.done $0x0  }
0x6c: {  	s1 =	sadd.s32 s30, s0;
	[sflag:s17] =	ssyncadd.s32 $0xFFFF8000  }
0x6d: {  	[hbm4b:s1+s3] =	stream.linear.scatter [tilespmem:s15], [sflag:$0x3], $0x8000, $0x38;
	[tilespmem:$0x10400] =	vst v63  }
0x6e: {  	_ =	swait.ge [sflag:s20], $0x8000  }
0x6f: {  	s31 =	sshll.u32 s23, $0x3;
	[sflag:s20] =	ssyncset.done $0x0  }
0x70: {  	s21 =	sadd.s32 $0x1, s21;
	s0 =	sadd.s32 s31, s0;
	[sflag:s20] =	ssyncadd.s32 $0xFFFF8000  }
0x71: {  	[hbm4b:s0+s3] =	stream.linear.scatter [tilespmem:s16], [sflag:$0x4], $0x8000, $0x38;
	[tilespmem:$0x10400] =	vst v63  }
0x72: {  	p0 =	sne.s32 s21, s6;
	_ =	swait.ge [sflag:s18], $0x8000  }
.Ltmp1:
0x73: {  	[sflag:s18] =	ssyncset.done $0x0;
	(pc) =	sbr.rel @p0 .LBB2_1-.Ltmp1, $4  }
0x74: {  	[sflag:s18] =	ssyncadd.s32 $0xFFFF8000  }
0x75: {  	_ =	swait.ge [sflag:s19], $0x8000  }
0x76: {  	[sflag:s19] =	ssyncset.done $0x0  }
0x77: {  	[sflag:s19] =	ssyncadd.s32 $0xFFFF8000  }
0x78: {  	_ =	sfence.sel $0x180000  }
0x79: {  	[bflag:$0x0] =	sbarrier.arrive $0xFFFF  }
0x7a: {  	_ =	strace $0x90000047  }
0x7b: {  	s0 =	stileid.u32;
	[bflag:$0x2] =	sbarrier.arrive $0xFFFF  }
0x7c: {  	p0 =	sne.s32 s0, $0x0;
	s0 =	rddreg [dreg:$0x2]  }
0x7d: {  	s0 =	sadd.s32 @!p0 $0x100000, s0  }
0x7e: {  	[sflag:s0] =	ssyncadd.tile.s32 @!p0 $0x1;
	_ =	shalt  }
.Lfunc_end2:
_tile_overlayer_lowered:
.L_overlay_start_2:
0x7f: {  	(tag) =	ssettag $0x2  }
0x80: {  	s0 =	rddreg [dreg:$0x0];
	s2 =	stileid.u32  }
0x81: {  	s1 =	rddreg [dreg:$0x1];
	p0 =	sne.s32 s2, $0x0  }
0x82: {  	s3 =	rddreg [dreg:$0x2];
	[bflag:$0x3] =	sbarrier.arrive $0xFFFF;
	s2 =	simm.s32 @!p0 $0x1C05  }
0x83: {  	[timem:s3], [sflag:s2] =	dma.local @!p0 [hbm:s0], s1  }
0x84: {  	s0 =	simm.s32 @!p0 $0x5  }
0x85: {  	_ =	swait.ge @!p0 [sflag:s0], s1  }
0x86: {  	s1 =	ssub.s32 @!p0 $0x0, s1;
	[sflag:s0] =	ssyncset.done @!p0 $0x0  }
0x87: {  	[sflag:s0] =	ssyncadd.s32 @!p0 s1  }
0x88: {  	[bflag:$0x3] =	sbarrier.arrive $0xFFFF  }
0x89: {  	_ =	shalt  }

// kernel: sparse-core-data-format-call.cloned.1.call-start
scs
called_computation_lowered:
.L_overlay_start_0:
0x0: {  	s2 =	sld [smem:$0x3FD9]  }
0x1: {  	s3 =	sld [smem:$0x3FFE];
	_ =	sdelay $0x1  }
0x2: {  	s1 =	srdreg.scid  }
0x3: {  	s0 =	sand.u32 $0x1, s1  }
0x4: {  	s18 =	sshll.u32 s0, $0xA;
	s2 =	sadd.s32 s3, s2  }
0x5: {  	s2 =	sadd.s32 s2, s18  }
0x6: {  	[smem:$0x3FC6] =	sst s2  }
0x7: {  	_ = 	snop  }
0x8: {  	s2 =	sld [smem:$0x3FD0];
	(tm) =	ssettm $0x1  }
0x9: {  	s19 =	sld [smem:$0x3FFB];
	_ =	sdelay $0x3  }
0xa: {  	_ =	strace s19  }
0xb: {  	s3 =	sld [smem:$0x3FFC];
	_ =	sdelay $0x3  }
0xc: {  	_ =	strace s3  }
0xd: {  	s3 =	sld [smem:$0x3FFD];
	_ =	sdelay $0x3  }
0xe: {  	_ =	strace s3  }
0xf: {  	_ =	strace $0x8FFFFFFF  }
0x10: {  	s20 =	sld [smem:$0x3FDB];
	_ =	sdelay $0x1  }
0x11: {  	s4 =	simm.s32 $_scs_section_size  }
0x12: {  	s5 =	simm.s32 $_size__tile_overlayer_lowered;
	s6 =	simm.s32 $_tile_overlayer_lowered  }
0x13: {  	s23 =	simm.s32 $0x1BFF;
	s22 =	sshll.u32 s6, $0x1;
	s3 =	sadd.s32 s4, s20  }
0x14: {  	s7 =	simm.s32 $0x0;
	s21 =	sshll.u32 s5, $0x1;
	s5 =	sadd.s32 s22, s3  }
0x15: {  	[timem:s7], [sflag:s23] =	dma.local [hbm:s5], s21  }
0x16: {  	_ =	swait.ge [sflag:s23], s21  }
0x17: {  	s4 =	ssub.s32 $0x0, s21;
	[sflag:s23] =	ssyncset.done $0x0  }
0x18: {  	[sflag:s23] =	ssyncadd.s32 s4;
	_ =	sdelay $0x1  }
0x19: {  	s24 =	simm.s32 $0x1B8B  }
0x1a: {  	_ =	swait.ge [sflag:s24], $0x1  }
0x1b: {  	[sflag:s24] =	ssyncset.done $0x0  }
0x1c: {  	s26 =	simm.s32 $0x1B8E;
	s25 =	sld [smem:$0x3FFE];
	[sflag:s24] =	ssyncadd.s32 $0xFFFFFFFF  }
0x1d: {  	s27 =	simm.s32 $execute0_lowered;
	[smem:$0x3FD2] =	sst s26  }
0x1e: {  	s5 =	sshll.u32 s27, $0x1;
	_ =	strace $0x80000049;
	[dreg:$0x1] =	wrdreg $0xFFFFFFFF  }
0x1f: {  	s28 =	simm.s32 $_size_execute0_lowered;
	s3 =	sadd.s32 s3, s5;
	[dreg:$0x0] =	wrdreg $0x0  }
0x20: {  	s5 =	sshll.u32 s28, $0x1;
	[dreg:$0x2] =	wrdreg s3  }
0x21: {  	[dreg:$0x3] =	wrdreg s5  }
0x22: {  	[dreg:$0x4] =	wrdreg $0xC0  }
0x23: {  	_ =	task [dreg:s7], $0x5FFFF  }
0x24: {  	[dreg:$0x1] =	wrdreg $0xFFFFFFFF  }
0x25: {  	[dreg:$0x0] =	wrdreg $0x60  }
0x26: {  	[dreg:$0x2] =	wrdreg s25  }
0x27: {  	[dreg:$0x3] =	wrdreg s2  }
0x28: {  	[dreg:$0x4] =	wrdreg $0x9  }
0x29: {  	_ =	task.clear_ibuf [dreg:s7], $0x5FFFF;
	_ =	strace $0x90000049  }
0x2a: {  	s29 =	simm.s32 $0x9;
	_ =	strace $0x8000004B  }
0x2b: {  	_ =	swait.ge [sflag:s29], $0x1  }
0x2c: {  	[sflag:s29] =	ssyncadd.s32 $0xFFFFFFFF  }
0x2d: {  	_ =	strace $0x9000004B  }
0x2e: {  	_ =	sfence  }
0x2f: {  	s30 =	sld [smem:$0x0];
	_ =	sdelay $0x2  }
0x30: {  	s31 =	sshll.u32 s1, $0xD;
	s1 =	sshrl.u32 s1, $0x2  }
0x31: {  	s3 =	sand.u32 $0x4000, s31;
	s1 =	sadd.s32 s1, s30  }
0x32: {  	s0 =	sor.u32 s3, s0;
	s1 =	sshll.u32 s1, $0x11  }
0x33: {  	s0 =	sor.u32 s1, s0  }
0x34: {  	s0 =	sadd.s32 $0x8F2B, s0  }
0x35: {  	[sflag:s0] =	ssyncadd.remote.s32 $0x1  }
0x36: {  	_ =	sfence.sel $0xFFFF  }
0x37: {  	[dreg:$0x0] =	wrdreg $0xFFFFFFFF;
	(pc) =	sbr.abs _section_cstart, $3  }
0x38: {  	[dreg:$0x1] =	wrdreg $0xFFFFFFFF  }
0x39: {  	_ =	task.clear_ibuf [dreg:s7], $0x2FFFF;
	_ =	strace $0x9FFFFFFF  }
0x3a: {  	(tm) =	ssettm $0x7FFFFFFF  }
0x3b: {  	_ =	shalt  }
tec
execute0_lowered:
.L_overlay_start_1:
0x0: {  	(tag) =	ssettag $0x1  }
0x1: {  	s0 =	srdreg.scid  }
0x2: {  	s1 =	sshll.u32 s0, $0x4  }
0x3: {  	s5 =	rddreg [dreg:$0x0];
	s0 =	stileid.u32;
	s1 =	sand.u32 $0x10, s1  }
0x4: {  	s3 =	rddreg [dreg:$0x1];
	s31 =	simm.s32 $0x2;
	s4 =	sor.u32 s0, s1  }
0x5: {  	s13 =	simm.s32 $0x0;
	s9 =	simm.s32 $0x400;
	s2 =	sshll.u32 s4, $0x7  }
0x6: {  	s10 =	simm.s32 $0x8000;
	s14 =	simm.s32 $0x0;
	s6 =	ssub.s32 $0x1000, s2  }
0x7: {  	s1 =	rddreg [dreg:$0x2];
	_ =	strace $0x8000004A;
	s7 =	sand.u32 $0xF80, s6  }
0x8: {  	s4 =	sshll.u32 s4, $0xB;
	p0 =	sne.s32 s7, $0x0;
	s7 =	simm.s32 $0x1  }
.Ltmp0:
0x9: {  	s6 =	sshrl.u32 s6, $0xC;
	s7 =	simm.s32 @!p0 $0x0;
	(pc) =	sbr.rel .LBB1_1-.Ltmp0, $4  }
0xa: {  	s8 =	sadd.s32 s4, s5;
	s4 =	simm.s32 $0x1;
	s30 =	sadd.s32 s7, s6  }
0xb: {  	s11 =	simm.s32 $0x0;
	[sflag:s4] =	ssyncpa.u1 $0x0;
	s5 =	smul.u32 $0x64, s30  }
0xc: {  	s12 =	simm.s32 $0x0;
	[sflag:s31] =	ssyncpa.u1 $0x0;
	p0 =	por $0x0, $0x0  }
0xd: {  	s6 =	sadd.s32 $0xA00, s8;
	s7 =	sadd.s32 $0x10A00, s8;
	s8 =	sor.u32 $0x1, s5  }
.LBB1_7:
0xe: {  	s15 =	sadd.s32 $0x2, s11  }
0xf: {  	p2 =	sgt.s32 s15, $0xC7  }
0x10: {  	s15 =	simm.s32 @p2 $0x0;
	p2 =	sne.s32 s12, s8  }
.Ltmp1:
0x11: {  	p1 =	slt.u32 s12, $0x2;
	(pc) =	sbr.rel @!p2 .LBB1_8-.Ltmp1, $4  }
0x12: {  	s13 =	simm.s32 @!p1 $0x2  }
0x13: {  	s16 =	sadd.s32 $0x1, s12;
	s14 =	smov.u32 s11;
	_ =	swait.ge @!p1 [sflag:s13], $0x4000  }
0x14: {  	p0 =	por !p0, !p0;
	s12 =	smov.u32 s16;
	[sflag:s13] =	ssyncset.done @!p1 $0x0  }
0x15: {  	s11 =	smov.u32 s15;
	[sflag:s13] =	ssyncadd.s32 @!p1 $0xFFFFC000;
	s13 =	smov.u32 s2  }
.LBB1_1:
0x16: {  	p1 =	sge.u32 s12, s5  }
0x17: {  	s15 =	sxor.u32 @!p1 $0xFFFFFFFF, s12  }
0x18: {  	s16 =	sshll.u32 @!p1 s11, $0x10;
	s18 =	simm.s32 @!p1 $0x40;
	s15 =	sshll.u32 @!p1 s15, $0xE  }
0x19: {  	s19 =	simm.s32 @!p1 $0x80;
	s17 =	sadd.s32 @!p1 s16, s6;
	s15 =	sand.u32 @!p1 $0x4000, s15  }
0x1a: {  	[tilespmem:s15], [sflag:$0x1] =	stream.strided.gather @!p1 [hbm4b:s17+s18], $0x2000, s19, s18, $0x38;
	[tilespmem:$0x10100] =	vst v63  }
0x1b: {  	s31 =	sadd.s32 $0xFFFFFFFF, s12;
	s16 =	sadd.s32 @!p1 s16, s7;
	s15 =	sor.u32 @!p1 $0x2000, s15  }
0x1c: {  	[tilespmem:s15], [sflag:$0x1] =	stream.strided.gather @!p1 [hbm4b:s16+s18], $0x2000, s19, s18, $0x38;
	[tilespmem:$0x10100] =	vst v63  }
0x1d: {  	p1 =	sge.u32 s31, s5  }
.Ltmp2:
0x1e: {  	_ = 	snop;
	(pc) =	sbr.rel @p1 .LBB1_7-.Ltmp2, $1  }
0x1f: {  	_ =	sdelay $0x3  }
0x20: {  	s15 =	simm.s32 $0x1;
	s17 =	sand.u32 $0x1, s12  }
0x21: {  	_ =	swait.ge [sflag:s4], $0x4000;
	s15 =	simm.s32 @!p0 $0x0;
	s17 =	smul.u32 $0x10200, s17  }
0x22: {  	p2 =	por $0x1, $0x1;
	[sflag:s4] =	ssyncset.done $0x0;
	s16 =	smul.u32 $0x10200, s15  }
0x23: {  	s18 =	sshll.u32 s15, $0x10;
	[sflag:s4] =	ssyncadd.s32 $0xFFFFC000;
	s30 =	sshrl.u32 s17, $0x2  }
0x24: {  	s31 =	sshrl.u32 s18, $0x2;
	s18 =	simm.s32 $0x0;
	s16 =	sshrl.u32 s16, $0x2  }
0x25: {  	s15 =	sor.u32 $0x8000, s30;
	s17 =	sadd.s32 $0x20, s31;
	s16 =	sor.u32 $0x8000, s16  }
.LBB1_3:
0x26: {  	s19 =	sshll.u32 s18, $0xD  }
0x27: {  	s19 =	sand.u32 $0x3FFFE000, s19  }
0x28: {  	s21 =	sadd.s32 s19, s17  }
0x29: {  	s31 =	smul.u32 $0x8100, s18;
	v3 =	vld [tilespmem:s21+$0x10]  }
0x2a: {  	v1 =	vld [tilespmem:s21+$0xFFFFFFF0]  }
0x2b: {  	s18 =	sshra.s32 s31, $0x2;
	v0 =	vld [tilespmem:s21+$0x0]  }
0x2c: {  	s18 =	sadd.s32 s18, s16;
	v2 =	vld [tilespmem:s21+$0xFFFFFFE0]  }
0x2d: {  	s19 =	sadd.s32 $0x0, s18  }
0x2e: {  	p1 =	por p2, p2;
	s20 =	simm.s32 $0x4;
	s21 =	sadd.s32 $0x40, s21;
	[tilespmem:s19+$0x1830 ss:$0x81] =	vst.msk $0xffff, v3  }
.LBB1_4:
0x2f: {  	v3 =	vld [tilespmem:s21+$0x10];
	p2 =	sne.s32 s20, $0x1FC;
	[tilespmem:s19+$0x810 ss:$0x81] =	vst.msk $0xffff, v1;
	s22 =	smov.u32 s20;
	s20 =	sadd.s32 $0x4, s20  }
.Ltmp3:
0x30: {  	v1 =	vld [tilespmem:s21+$0xFFFFFFF0];
	[tilespmem:s19+$0x1020 ss:$0x81] =	vst.msk $0xffff, v0;
	(pc) =	sbr.rel @p2 .LBB1_4-.Ltmp3, $4  }
0x31: {  	v0 =	vld [tilespmem:s21+$0x0];
	[tilespmem:s19+$0x0 ss:$0x81] =	vst.msk $0xffff, v2  }
0x32: {  	s19 =	sshra.s32 s22, $0x2;
	v2 =	vld [tilespmem:s21+$0xFFFFFFE0]  }
0x33: {  	s19 =	sadd.s32 s19, s18  }
0x34: {  	s21 =	sadd.s32 $0x40, s21;
	[tilespmem:s19+$0x1830 ss:$0x81] =	vst.msk $0xffff, v3  }
.Ltmp4:
0x35: {  	(pc) =	sbr.rel @p1 .LBB1_3-.Ltmp4, $4  }
0x36: {  	_ = 	snop  }
0x37: {  	[tilespmem:s19+$0x810 ss:$0x81] =	vst.msk $0xffff, v1  }
0x38: {  	[tilespmem:s19+$0x1020 ss:$0x81] =	vst.msk $0xffff, v0  }
0x39: {  	s18 =	simm.s32 $0x1;
	p2 =	por $0x0, $0x0;
	[tilespmem:s19+$0x0 ss:$0x81] =	vst.msk $0xffff, v2  }
.Ltmp5:
0x3a: {  	(pc) =	sbr.rel .LBB1_7-.Ltmp5, $4  }
0x3b: {  	s14 =	sshll.u32 s14, $0xF  }
0x3c: {  	s14 =	sadd.s32 s3, s14  }
0x3d: {  	s13 =	sadd.s32 s13, s14  }
0x3e: {  	[hbm4b:s13+s9] =	stream.strided.scatter [tilespmem:s15], [sflag:$0x2], $0x4000, s10, s9, $0x20;
	[tilespmem:$0x10100] =	vst v63  }
.LBB1_8:
0x3f: {  	_ =	sfence.sel $0x180000  }
0x40: {  	s2 =	simm.s32 $0x1;
	[bflag:$0x0] =	sbarrier.arrive $0xFFFF  }
0x41: {  	s31 =	simm.s32 $0x2;
	[sflag:s2] =	ssyncpa.u1 $0x1  }
0x42: {  	[sflag:s31] =	ssyncpa.u1 $0x1  }
0x43: {  	p0 =	sne.s32 s0, $0x0;
	_ =	strace $0x9000004A  }
0x44: {  	s0 =	sadd.s32 @!p0 $0x100000, s1;
	[bflag:$0x2] =	sbarrier.arrive $0xFFFF  }
0x45: {  	[sflag:s0] =	ssyncadd.tile.s32 @!p0 $0x1;
	_ =	shalt  }
.Lfunc_end1:
_tile_overlayer_lowered:
.L_overlay_start_2:
0x46: {  	(tag) =	ssettag $0x2  }
0x47: {  	s0 =	rddreg [dreg:$0x0];
	s2 =	stileid.u32  }
0x48: {  	s1 =	rddreg [dreg:$0x1];
	p0 =	sne.s32 s2, $0x0  }
0x49: {  	s3 =	rddreg [dreg:$0x2];
	[bflag:$0x3] =	sbarrier.arrive $0xFFFF;
	s2 =	simm.s32 @!p0 $0x1C01  }
0x4a: {  	[timem:s3], [sflag:s2] =	dma.local @!p0 [hbm:s0], s1  }
0x4b: {  	s0 =	simm.s32 @!p0 $0x1  }
0x4c: {  	_ =	swait.ge @!p0 [sflag:s0], s1  }
0x4d: {  	s1 =	ssub.s32 @!p0 $0x0, s1;
	[sflag:s0] =	ssyncset.done @!p0 $0x0  }
0x4e: {  	[sflag:s0] =	ssyncadd.s32 @!p0 s1  }
0x4f: {  	[bflag:$0x3] =	sbarrier.arrive $0xFFFF  }
0x50: {  	_ =	shalt  }

</sc_bundles>
